<compile_context>
chip_gen: v7x
topology: tpu7x:2x2x1
jax: 0.10.2.dev20260603
libtpu: 0.0.44.dev20260713+nightly
codegen_flags: <defaults>
</compile_context>

<pallas_src>
import functools

import jax
import jax.numpy as jnp
from jax import lax
from jax.experimental import pallas as pl
from jax.experimental.pallas import tpu as pltpu
from jax.experimental.pallas import tpu_sc as plsc

_NC = 2
_NS = 16
_LANES = 16
_CHUNK = 8192
_NBUF = 4
_UNROLL = 8


def _sc_body(x_hbm, pos_hbm, out_hbm, *bufs):
    xbufs = bufs[0:_NBUF]
    pbufs = bufs[_NBUF:2 * _NBUF]
    xsems = bufs[2 * _NBUF:3 * _NBUF]
    psems = bufs[3 * _NBUF:4 * _NBUF]
    osems = bufs[4 * _NBUF:5 * _NBUF]

    total = x_hbm.shape[0]
    psize = pos_hbm.shape[0]
    per_w = total // (_NC * _NS)
    n_chunks = per_w // _CHUNK
    last = n_chunks - 1

    wid = lax.axis_index("s") * _NC + lax.axis_index("c")
    base = wid * per_w
    pbase = lax.rem(base, psize)

    def start_in(b, ci):
        off = ci * _CHUNK
        pltpu.async_copy(x_hbm.at[pl.ds(base + off, _CHUNK)], xbufs[b], xsems[b])
        pltpu.async_copy(pos_hbm.at[pl.ds(pbase + off, _CHUNK)], pbufs[b], psems[b])

    def wait_in(b):
        pltpu.make_async_copy(x_hbm.at[pl.ds(base, _CHUNK)], xbufs[b], xsems[b]).wait()
        pltpu.make_async_copy(pos_hbm.at[pl.ds(pbase, _CHUNK)], pbufs[b], psems[b]).wait()

    def compute(b):
        def vec_body(vi, c2):
            for j in range(_UNROLL):
                o = (vi * _UNROLL + j) * _LANES
                plsc.addupdate(pbufs[b].at[pl.ds(o, _LANES)], xbufs[b][pl.ds(o, _LANES)])
            return c2
        lax.fori_loop(0, _CHUNK // (_LANES * _UNROLL), vec_body, 0)

    for b in range(_NBUF):
        start_in(b, b)

    def group_body(g, carry):
        for b in range(_NBUF):
            ci = g * _NBUF + b
            wait_in(b)
            pltpu.sync_copy(pbufs[b], out_hbm.at[pl.ds(base + ci * _CHUNK, _CHUNK)])
            cn = jnp.minimum(ci + _NBUF, last)
            start_in(b, cn)
        return carry

    lax.fori_loop(0, n_chunks // _NBUF, group_body, 0)

    for b in range(_NBUF):
        wait_in(b)


def kernel(x, positions):
    B, S, D = x.shape
    xf = x.reshape(B * S * D)
    pf = positions.reshape(S * D)

    scratch = (
        [pltpu.VMEM((_CHUNK,), jnp.float32) for _ in range(2 * _NBUF)]
        + [pltpu.SemaphoreType.DMA for _ in range(3 * _NBUF)]
    )
    sc_call = functools.partial(
        pl.kernel,
        mesh=plsc.VectorSubcoreMesh(core_axis_name="c", subcore_axis_name="s"),
        out_type=jax.ShapeDtypeStruct((B * S * D,), x.dtype),
        scratch_types=scratch,
    )(_sc_body)

    out = sc_call(xf, pf)
    return out.reshape(B, S, D)

# --- scband reference (transcript-rebuilt; emitter-appended) ---
"""Pipeline reference for scband-temporal-position-embedding-73933567033612 (READ-ONLY COPY).

The authoritative reference and input builder live on the scoring server;
editing this copy changes nothing except your own understanding.
"""

import jax, jax.numpy as jnp
import numpy as np

D_MODEL = 1024
MAX_SEQ_LEN = 4096
BATCH = 4
SEQ_LEN = 4096

def setup_inputs(seed: int = 0) -> dict:
    key = jax.random.key(seed)
    kx, kp = jax.random.split(key)
    x = jax.random.normal(kx, (BATCH, SEQ_LEN, D_MODEL), dtype=jnp.float32)
    # learnable positions: init normal(mean=0, std=0.02), shape (1, max_seq_len, d_model)
    positions = jax.random.normal(kp, (1, MAX_SEQ_LEN, D_MODEL), dtype=jnp.float32) * 0.02
    return {"x": x, "positions": positions}

def reference(x, positions):
    # position_ids is None path; dropout p=0.0 -> identity
    seq_len = x.shape[1]
    pos = positions[:, :seq_len, :]
    return x + pos

if __name__ == "__main__":
    import jax
    _d = setup_inputs()
    print(jax.jit(kernel)(*tuple(_d.values())))

</pallas_src>

<mosaic_0001>
#map = affine_map<(d0, d1) -> (0)>
module attributes {stable_mosaic.version = 14 : i64} {
  func.func @_sc_body(%arg0: i32, %arg1: i32, %arg2: memref<16777216xf32, #tpu.memory_space<hbm>>, %arg3: memref<4194304xf32, #tpu.memory_space<hbm>>, %arg4: memref<16777216xf32, #tpu.memory_space<hbm>>, %arg5: memref<8192xf32, #tpu.memory_space<vmem>>, %arg6: memref<8192xf32, #tpu.memory_space<vmem>>, %arg7: memref<8192xf32, #tpu.memory_space<vmem>>, %arg8: memref<8192xf32, #tpu.memory_space<vmem>>, %arg9: memref<8192xf32, #tpu.memory_space<vmem>>, %arg10: memref<8192xf32, #tpu.memory_space<vmem>>, %arg11: memref<8192xf32, #tpu.memory_space<vmem>>, %arg12: memref<8192xf32, #tpu.memory_space<vmem>>, %arg13: memref<!tpu.dma_semaphore, #tpu.memory_space<semaphore_mem>>, %arg14: memref<!tpu.dma_semaphore, #tpu.memory_space<semaphore_mem>>, %arg15: memref<!tpu.dma_semaphore, #tpu.memory_space<semaphore_mem>>, %arg16: memref<!tpu.dma_semaphore, #tpu.memory_space<semaphore_mem>>, %arg17: memref<!tpu.dma_semaphore, #tpu.memory_space<semaphore_mem>>, %arg18: memref<!tpu.dma_semaphore, #tpu.memory_space<semaphore_mem>>, %arg19: memref<!tpu.dma_semaphore, #tpu.memory_space<semaphore_mem>>, %arg20: memref<!tpu.dma_semaphore, #tpu.memory_space<semaphore_mem>>, %arg21: memref<!tpu.dma_semaphore, #tpu.memory_space<semaphore_mem>>, %arg22: memref<!tpu.dma_semaphore, #tpu.memory_space<semaphore_mem>>, %arg23: memref<!tpu.dma_semaphore, #tpu.memory_space<semaphore_mem>>, %arg24: memref<!tpu.dma_semaphore, #tpu.memory_space<semaphore_mem>>) attributes {dimension_semantics = [#tpu.dimension_semantics<core_parallel>, #tpu.dimension_semantics<subcore_parallel>], iteration_bounds = array<i64: 2, 16>, scalar_prefetch = 0 : i64, scratch_operands = 20 : i64, tpu.core_type = #tpu.core_type<sc_vector_subcore>, window_params = [{transform_indices = #map}, {transform_indices = #map}, {transform_indices = #map}]} {
    %mul3A = arith.constant 2 : i32
    %mul3A_0 = arith.muli %arg1, %mul3A : i32
    %add3A = arith.addi %mul3A_0, %arg0 : i32
    %mul3A_1 = arith.constant 524288 : i32
    %mul3A_2 = arith.muli %add3A, %mul3A_1 : i32
    %rem3A = arith.constant 4194304 : i32
    %rem3A_3 = arith.remsi %mul3A_2, %rem3A : i32
    %add3A_4 = arith.constant 0 : i32
    %add3A_5 = arith.addi %mul3A_2, %add3A_4 : i32
    %dma_start3A = tpu.memref_slice %arg2[%add3A_5] : memref<16777216xf32, #tpu.memory_space<hbm>> -> memref<8192xf32, #tpu.memory_space<hbm>>
    %dma_start3A_6 = tpu.memref_slice %arg2[%add3A_5] : memref<16777216xf32, #tpu.memory_space<hbm>> -> memref<8192xf32, #tpu.memory_space<hbm>>
    tpu.enqueue_dma source(%dma_start3A_6 : memref<8192xf32, #tpu.memory_space<hbm>>) target(%arg5 : memref<8192xf32, #tpu.memory_space<vmem>>) target_semaphore(%arg13 : memref<!tpu.dma_semaphore, #tpu.memory_space<semaphore_mem>>)
    %add3A_7 = arith.constant 0 : i32
    %add3A_8 = arith.addi %rem3A_3, %add3A_7 : i32
    %dma_start3A_9 = tpu.memref_slice %arg3[%add3A_8] : memref<4194304xf32, #tpu.memory_space<hbm>> -> memref<8192xf32, #tpu.memory_space<hbm>>
    %dma_start3A_10 = tpu.memref_slice %arg3[%add3A_8] : memref<4194304xf32, #tpu.memory_space<hbm>> -> memref<8192xf32, #tpu.memory_space<hbm>>
    tpu.enqueue_dma source(%dma_start3A_10 : memref<8192xf32, #tpu.memory_space<hbm>>) target(%arg9 : memref<8192xf32, #tpu.memory_space<vmem>>) target_semaphore(%arg17 : memref<!tpu.dma_semaphore, #tpu.memory_space<semaphore_mem>>)
    %add3A_11 = arith.constant 8192 : i32
    %add3A_12 = arith.addi %mul3A_2, %add3A_11 : i32
    %dma_start3A_13 = tpu.memref_slice %arg2[%add3A_12] : memref<16777216xf32, #tpu.memory_space<hbm>> -> memref<8192xf32, #tpu.memory_space<hbm>>
    %dma_start3A_14 = tpu.memref_slice %arg2[%add3A_12] : memref<16777216xf32, #tpu.memory_space<hbm>> -> memref<8192xf32, #tpu.memory_space<hbm>>
    tpu.enqueue_dma source(%dma_start3A_14 : memref<8192xf32, #tpu.memory_space<hbm>>) target(%arg6 : memref<8192xf32, #tpu.memory_space<vmem>>) target_semaphore(%arg14 : memref<!tpu.dma_semaphore, #tpu.memory_space<semaphore_mem>>)
    %add3A_15 = arith.constant 8192 : i32
    %add3A_16 = arith.addi %rem3A_3, %add3A_15 : i32
    %dma_start3A_17 = tpu.memref_slice %arg3[%add3A_16] : memref<4194304xf32, #tpu.memory_space<hbm>> -> memref<8192xf32, #tpu.memory_space<hbm>>
    %dma_start3A_18 = tpu.memref_slice %arg3[%add3A_16] : memref<4194304xf32, #tpu.memory_space<hbm>> -> memref<8192xf32, #tpu.memory_space<hbm>>
    tpu.enqueue_dma source(%dma_start3A_18 : memref<8192xf32, #tpu.memory_space<hbm>>) target(%arg10 : memref<8192xf32, #tpu.memory_space<vmem>>) target_semaphore(%arg18 : memref<!tpu.dma_semaphore, #tpu.memory_space<semaphore_mem>>)
    %add3A_19 = arith.constant 16384 : i32
    %add3A_20 = arith.addi %mul3A_2, %add3A_19 : i32
    %dma_start3A_21 = tpu.memref_slice %arg2[%add3A_20] : memref<16777216xf32, #tpu.memory_space<hbm>> -> memref<8192xf32, #tpu.memory_space<hbm>>
    %dma_start3A_22 = tpu.memref_slice %arg2[%add3A_20] : memref<16777216xf32, #tpu.memory_space<hbm>> -> memref<8192xf32, #tpu.memory_space<hbm>>
    tpu.enqueue_dma source(%dma_start3A_22 : memref<8192xf32, #tpu.memory_space<hbm>>) target(%arg7 : memref<8192xf32, #tpu.memory_space<vmem>>) target_semaphore(%arg15 : memref<!tpu.dma_semaphore, #tpu.memory_space<semaphore_mem>>)
    %add3A_23 = arith.constant 16384 : i32
    %add3A_24 = arith.addi %rem3A_3, %add3A_23 : i32
    %dma_start3A_25 = tpu.memref_slice %arg3[%add3A_24] : memref<4194304xf32, #tpu.memory_space<hbm>> -> memref<8192xf32, #tpu.memory_space<hbm>>
    %dma_start3A_26 = tpu.memref_slice %arg3[%add3A_24] : memref<4194304xf32, #tpu.memory_space<hbm>> -> memref<8192xf32, #tpu.memory_space<hbm>>
    tpu.enqueue_dma source(%dma_start3A_26 : memref<8192xf32, #tpu.memory_space<hbm>>) target(%arg11 : memref<8192xf32, #tpu.memory_space<vmem>>) target_semaphore(%arg19 : memref<!tpu.dma_semaphore, #tpu.memory_space<semaphore_mem>>)
    %add3A_27 = arith.constant 24576 : i32
    %add3A_28 = arith.addi %mul3A_2, %add3A_27 : i32
    %dma_start3A_29 = tpu.memref_slice %arg2[%add3A_28] : memref<16777216xf32, #tpu.memory_space<hbm>> -> memref<8192xf32, #tpu.memory_space<hbm>>
    %dma_start3A_30 = tpu.memref_slice %arg2[%add3A_28] : memref<16777216xf32, #tpu.memory_space<hbm>> -> memref<8192xf32, #tpu.memory_space<hbm>>
    tpu.enqueue_dma source(%dma_start3A_30 : memref<8192xf32, #tpu.memory_space<hbm>>) target(%arg8 : memref<8192xf32, #tpu.memory_space<vmem>>) target_semaphore(%arg16 : memref<!tpu.dma_semaphore, #tpu.memory_space<semaphore_mem>>)
    %add3A_31 = arith.constant 24576 : i32
    %add3A_32 = arith.addi %rem3A_3, %add3A_31 : i32
    %dma_start3A_33 = tpu.memref_slice %arg3[%add3A_32] : memref<4194304xf32, #tpu.memory_space<hbm>> -> memref<8192xf32, #tpu.memory_space<hbm>>
    %dma_start3A_34 = tpu.memref_slice %arg3[%add3A_32] : memref<4194304xf32, #tpu.memory_space<hbm>> -> memref<8192xf32, #tpu.memory_space<hbm>>
    tpu.enqueue_dma source(%dma_start3A_34 : memref<8192xf32, #tpu.memory_space<hbm>>) target(%arg12 : memref<8192xf32, #tpu.memory_space<vmem>>) target_semaphore(%arg20 : memref<!tpu.dma_semaphore, #tpu.memory_space<semaphore_mem>>)
    %scan3A = arith.constant 0 : i32
    %scan3A_35 = arith.constant 0 : i32
    %scan3A_36 = arith.constant 16 : i32
    %scan3A_37 = arith.addi %scan3A_35, %scan3A_36 : i32
    %scan3A_38 = arith.constant 1 : i32
    scf.for %scan3A_55 = %scan3A_35 to %scan3A_37 step %scan3A_38  : i32 {
      %mul3A_56 = arith.constant 4 : i32
      %mul3A_57 = arith.muli %scan3A_55, %mul3A_56 : i32
      %add3A_58 = arith.constant 0 : i32
      %add3A_59 = arith.addi %mul3A_57, %add3A_58 : i32
      %dma_wait3A_60 = tpu.memref_slice %arg2[%mul3A_2] : memref<16777216xf32, #tpu.memory_space<hbm>> -> memref<8192xf32, #tpu.memory_space<hbm>>
      %dma_wait3A_61 = tpu.memref_slice %arg2[%mul3A_2] : memref<16777216xf32, #tpu.memory_space<hbm>> -> memref<8192xf32, #tpu.memory_space<hbm>>
      tpu.wait_dma2 semaphore(%arg13 : memref<!tpu.dma_semaphore, #tpu.memory_space<semaphore_mem>>) src(%dma_wait3A_61 : memref<8192xf32, #tpu.memory_space<hbm>>) dst(%arg5 : memref<8192xf32, #tpu.memory_space<vmem>>)
      %dma_wait3A_62 = tpu.memref_slice %arg3[%rem3A_3] : memref<4194304xf32, #tpu.memory_space<hbm>> -> memref<8192xf32, #tpu.memory_space<hbm>>
      %dma_wait3A_63 = tpu.memref_slice %arg3[%rem3A_3] : memref<4194304xf32, #tpu.memory_space<hbm>> -> memref<8192xf32, #tpu.memory_space<hbm>>
      tpu.wait_dma2 semaphore(%arg17 : memref<!tpu.dma_semaphore, #tpu.memory_space<semaphore_mem>>) src(%dma_wait3A_63 : memref<8192xf32, #tpu.memory_space<hbm>>) dst(%arg9 : memref<8192xf32, #tpu.memory_space<vmem>>)
      %mul3A_64 = arith.constant 8192 : i32
      %mul3A_65 = arith.muli %add3A_59, %mul3A_64 : i32
      %add3A_66 = arith.addi %mul3A_2, %mul3A_65 : i32
      "tpu.region"() ({
        %run_scoped3A = tpu.sem_alloc : memref<!tpu.dma_semaphore, #tpu.memory_space<semaphore_mem>>
        %dma_start3A_147 = tpu.memref_slice %arg4[%add3A_66] : memref<16777216xf32, #tpu.memory_space<hbm>> -> memref<8192xf32, #tpu.memory_space<hbm>>
        %dma_start3A_148 = tpu.memref_slice %arg4[%add3A_66] : memref<16777216xf32, #tpu.memory_space<hbm>> -> memref<8192xf32, #tpu.memory_space<hbm>>
        tpu.enqueue_dma source(%arg9 : memref<8192xf32, #tpu.memory_space<vmem>>) target(%dma_start3A_148 : memref<8192xf32, #tpu.memory_space<hbm>>) target_semaphore(%run_scoped3A : memref<!tpu.dma_semaphore, #tpu.memory_space<semaphore_mem>>)
        %dma_wait3A_149 = tpu.memref_slice %arg4[%add3A_66] : memref<16777216xf32, #tpu.memory_space<hbm>> -> memref<8192xf32, #tpu.memory_space<hbm>>
        %dma_wait3A_150 = tpu.memref_slice %arg4[%add3A_66] : memref<16777216xf32, #tpu.memory_space<hbm>> -> memref<8192xf32, #tpu.memory_space<hbm>>
        tpu.wait_dma2 semaphore(%run_scoped3A : memref<!tpu.dma_semaphore, #tpu.memory_space<semaphore_mem>>) src(%arg9 : memref<8192xf32, #tpu.memory_space<vmem>>) dst(%dma_wait3A_150 : memref<8192xf32, #tpu.memory_space<hbm>>)
        tpu.yield
      }) : () -> ()
      %add3A_67 = arith.constant 4 : i32
      %add3A_68 = arith.addi %add3A_59, %add3A_67 : i32
      %min3A = arith.constant 63 : i32
      %min3A_69 = arith.minsi %add3A_68, %min3A : i32
      %mul3A_70 = arith.constant 8192 : i32
      %mul3A_71 = arith.muli %min3A_69, %mul3A_70 : i32
      %add3A_72 = arith.addi %mul3A_2, %mul3A_71 : i32
      %dma_start3A_73 = tpu.memref_slice %arg2[%add3A_72] : memref<16777216xf32, #tpu.memory_space<hbm>> -> memref<8192xf32, #tpu.memory_space<hbm>>
      %dma_start3A_74 = tpu.memref_slice %arg2[%add3A_72] : memref<16777216xf32, #tpu.memory_space<hbm>> -> memref<8192xf32, #tpu.memory_space<hbm>>
      tpu.enqueue_dma source(%dma_start3A_74 : memref<8192xf32, #tpu.memory_space<hbm>>) target(%arg5 : memref<8192xf32, #tpu.memory_space<vmem>>) target_semaphore(%arg13 : memref<!tpu.dma_semaphore, #tpu.memory_space<semaphore_mem>>)
      %add3A_75 = arith.addi %rem3A_3, %mul3A_71 : i32
      %dma_start3A_76 = tpu.memref_slice %arg3[%add3A_75] : memref<4194304xf32, #tpu.memory_space<hbm>> -> memref<8192xf32, #tpu.memory_space<hbm>>
      %dma_start3A_77 = tpu.memref_slice %arg3[%add3A_75] : memref<4194304xf32, #tpu.memory_space<hbm>> -> memref<8192xf32, #tpu.memory_space<hbm>>
      tpu.enqueue_dma source(%dma_start3A_77 : memref<8192xf32, #tpu.memory_space<hbm>>) target(%arg9 : memref<8192xf32, #tpu.memory_space<vmem>>) target_semaphore(%arg17 : memref<!tpu.dma_semaphore, #tpu.memory_space<semaphore_mem>>)
      %mul3A_78 = arith.constant 4 : i32
      %mul3A_79 = arith.muli %scan3A_55, %mul3A_78 : i32
      %add3A_80 = arith.constant 1 : i32
      %add3A_81 = arith.addi %mul3A_79, %add3A_80 : i32
      %dma_wait3A_82 = tpu.memref_slice %arg2[%mul3A_2] : memref<16777216xf32, #tpu.memory_space<hbm>> -> memref<8192xf32, #tpu.memory_space<hbm>>
      %dma_wait3A_83 = tpu.memref_slice %arg2[%mul3A_2] : memref<16777216xf32, #tpu.memory_space<hbm>> -> memref<8192xf32, #tpu.memory_space<hbm>>
      tpu.wait_dma2 semaphore(%arg14 : memref<!tpu.dma_semaphore, #tpu.memory_space<semaphore_mem>>) src(%dma_wait3A_83 : memref<8192xf32, #tpu.memory_space<hbm>>) dst(%arg6 : memref<8192xf32, #tpu.memory_space<vmem>>)
      %dma_wait3A_84 = tpu.memref_slice %arg3[%rem3A_3] : memref<4194304xf32, #tpu.memory_space<hbm>> -> memref<8192xf32, #tpu.memory_space<hbm>>
      %dma_wait3A_85 = tpu.memref_slice %arg3[%rem3A_3] : memref<4194304xf32, #tpu.memory_space<hbm>> -> memref<8192xf32, #tpu.memory_space<hbm>>
      tpu.wait_dma2 semaphore(%arg18 : memref<!tpu.dma_semaphore, #tpu.memory_space<semaphore_mem>>) src(%dma_wait3A_85 : memref<8192xf32, #tpu.memory_space<hbm>>) dst(%arg10 : memref<8192xf32, #tpu.memory_space<vmem>>)
      %mul3A_86 = arith.constant 8192 : i32
      %mul3A_87 = arith.muli %add3A_81, %mul3A_86 : i32
      %add3A_88 = arith.addi %mul3A_2, %mul3A_87 : i32
      "tpu.region"() ({
        %run_scoped3A = tpu.sem_alloc : memref<!tpu.dma_semaphore, #tpu.memory_space<semaphore_mem>>
        %dma_start3A_147 = tpu.memref_slice %arg4[%add3A_88] : memref<16777216xf32, #tpu.memory_space<hbm>> -> memref<8192xf32, #tpu.memory_space<hbm>>
        %dma_start3A_148 = tpu.memref_slice %arg4[%add3A_88] : memref<16777216xf32, #tpu.memory_space<hbm>> -> memref<8192xf32, #tpu.memory_space<hbm>>
        tpu.enqueue_dma source(%arg10 : memref<8192xf32, #tpu.memory_space<vmem>>) target(%dma_start3A_148 : memref<8192xf32, #tpu.memory_space<hbm>>) target_semaphore(%run_scoped3A : memref<!tpu.dma_semaphore, #tpu.memory_space<semaphore_mem>>)
        %dma_wait3A_149 = tpu.memref_slice %arg4[%add3A_88] : memref<16777216xf32, #tpu.memory_space<hbm>> -> memref<8192xf32, #tpu.memory_space<hbm>>
        %dma_wait3A_150 = tpu.memref_slice %arg4[%add3A_88] : memref<16777216xf32, #tpu.memory_space<hbm>> -> memref<8192xf32, #tpu.memory_space<hbm>>
        tpu.wait_dma2 semaphore(%run_scoped3A : memref<!tpu.dma_semaphore, #tpu.memory_space<semaphore_mem>>) src(%arg10 : memref<8192xf32, #tpu.memory_space<vmem>>) dst(%dma_wait3A_150 : memref<8192xf32, #tpu.memory_space<hbm>>)
        tpu.yield
      }) : () -> ()
      %add3A_89 = arith.constant 4 : i32
      %add3A_90 = arith.addi %add3A_81, %add3A_89 : i32
      %min3A_91 = arith.constant 63 : i32
      %min3A_92 = arith.minsi %add3A_90, %min3A_91 : i32
      %mul3A_93 = arith.constant 8192 : i32
      %mul3A_94 = arith.muli %min3A_92, %mul3A_93 : i32
      %add3A_95 = arith.addi %mul3A_2, %mul3A_94 : i32
      %dma_start3A_96 = tpu.memref_slice %arg2[%add3A_95] : memref<16777216xf32, #tpu.memory_space<hbm>> -> memref<8192xf32, #tpu.memory_space<hbm>>
      %dma_start3A_97 = tpu.memref_slice %arg2[%add3A_95] : memref<16777216xf32, #tpu.memory_space<hbm>> -> memref<8192xf32, #tpu.memory_space<hbm>>
      tpu.enqueue_dma source(%dma_start3A_97 : memref<8192xf32, #tpu.memory_space<hbm>>) target(%arg6 : memref<8192xf32, #tpu.memory_space<vmem>>) target_semaphore(%arg14 : memref<!tpu.dma_semaphore, #tpu.memory_space<semaphore_mem>>)
      %add3A_98 = arith.addi %rem3A_3, %mul3A_94 : i32
      %dma_start3A_99 = tpu.memref_slice %arg3[%add3A_98] : memref<4194304xf32, #tpu.memory_space<hbm>> -> memref<8192xf32, #tpu.memory_space<hbm>>
      %dma_start3A_100 = tpu.memref_slice %arg3[%add3A_98] : memref<4194304xf32, #tpu.memory_space<hbm>> -> memref<8192xf32, #tpu.memory_space<hbm>>
      tpu.enqueue_dma source(%dma_start3A_100 : memref<8192xf32, #tpu.memory_space<hbm>>) target(%arg10 : memref<8192xf32, #tpu.memory_space<vmem>>) target_semaphore(%arg18 : memref<!tpu.dma_semaphore, #tpu.memory_space<semaphore_mem>>)
      %mul3A_101 = arith.constant 4 : i32
      %mul3A_102 = arith.muli %scan3A_55, %mul3A_101 : i32
      %add3A_103 = arith.constant 2 : i32
      %add3A_104 = arith.addi %mul3A_102, %add3A_103 : i32
      %dma_wait3A_105 = tpu.memref_slice %arg2[%mul3A_2] : memref<16777216xf32, #tpu.memory_space<hbm>> -> memref<8192xf32, #tpu.memory_space<hbm>>
      %dma_wait3A_106 = tpu.memref_slice %arg2[%mul3A_2] : memref<16777216xf32, #tpu.memory_space<hbm>> -> memref<8192xf32, #tpu.memory_space<hbm>>
      tpu.wait_dma2 semaphore(%arg15 : memref<!tpu.dma_semaphore, #tpu.memory_space<semaphore_mem>>) src(%dma_wait3A_106 : memref<8192xf32, #tpu.memory_space<hbm>>) dst(%arg7 : memref<8192xf32, #tpu.memory_space<vmem>>)
      %dma_wait3A_107 = tpu.memref_slice %arg3[%rem3A_3] : memref<4194304xf32, #tpu.memory_space<hbm>> -> memref<8192xf32, #tpu.memory_space<hbm>>
      %dma_wait3A_108 = tpu.memref_slice %arg3[%rem3A_3] : memref<4194304xf32, #tpu.memory_space<hbm>> -> memref<8192xf32, #tpu.memory_space<hbm>>
      tpu.wait_dma2 semaphore(%arg19 : memref<!tpu.dma_semaphore, #tpu.memory_space<semaphore_mem>>) src(%dma_wait3A_108 : memref<8192xf32, #tpu.memory_space<hbm>>) dst(%arg11 : memref<8192xf32, #tpu.memory_space<vmem>>)
      %mul3A_109 = arith.constant 8192 : i32
      %mul3A_110 = arith.muli %add3A_104, %mul3A_109 : i32
      %add3A_111 = arith.addi %mul3A_2, %mul3A_110 : i32
      "tpu.region"() ({
        %run_scoped3A = tpu.sem_alloc : memref<!tpu.dma_semaphore, #tpu.memory_space<semaphore_mem>>
        %dma_start3A_147 = tpu.memref_slice %arg4[%add3A_111] : memref<16777216xf32, #tpu.memory_space<hbm>> -> memref<8192xf32, #tpu.memory_space<hbm>>
        %dma_start3A_148 = tpu.memref_slice %arg4[%add3A_111] : memref<16777216xf32, #tpu.memory_space<hbm>> -> memref<8192xf32, #tpu.memory_space<hbm>>
        tpu.enqueue_dma source(%arg11 : memref<8192xf32, #tpu.memory_space<vmem>>) target(%dma_start3A_148 : memref<8192xf32, #tpu.memory_space<hbm>>) target_semaphore(%run_scoped3A : memref<!tpu.dma_semaphore, #tpu.memory_space<semaphore_mem>>)
        %dma_wait3A_149 = tpu.memref_slice %arg4[%add3A_111] : memref<16777216xf32, #tpu.memory_space<hbm>> -> memref<8192xf32, #tpu.memory_space<hbm>>
        %dma_wait3A_150 = tpu.memref_slice %arg4[%add3A_111] : memref<16777216xf32, #tpu.memory_space<hbm>> -> memref<8192xf32, #tpu.memory_space<hbm>>
        tpu.wait_dma2 semaphore(%run_scoped3A : memref<!tpu.dma_semaphore, #tpu.memory_space<semaphore_mem>>) src(%arg11 : memref<8192xf32, #tpu.memory_space<vmem>>) dst(%dma_wait3A_150 : memref<8192xf32, #tpu.memory_space<hbm>>)
        tpu.yield
      }) : () -> ()
      %add3A_112 = arith.constant 4 : i32
      %add3A_113 = arith.addi %add3A_104, %add3A_112 : i32
      %min3A_114 = arith.constant 63 : i32
      %min3A_115 = arith.minsi %add3A_113, %min3A_114 : i32
      %mul3A_116 = arith.constant 8192 : i32
      %mul3A_117 = arith.muli %min3A_115, %mul3A_116 : i32
      %add3A_118 = arith.addi %mul3A_2, %mul3A_117 : i32
      %dma_start3A_119 = tpu.memref_slice %arg2[%add3A_118] : memref<16777216xf32, #tpu.memory_space<hbm>> -> memref<8192xf32, #tpu.memory_space<hbm>>
      %dma_start3A_120 = tpu.memref_slice %arg2[%add3A_118] : memref<16777216xf32, #tpu.memory_space<hbm>> -> memref<8192xf32, #tpu.memory_space<hbm>>
      tpu.enqueue_dma source(%dma_start3A_120 : memref<8192xf32, #tpu.memory_space<hbm>>) target(%arg7 : memref<8192xf32, #tpu.memory_space<vmem>>) target_semaphore(%arg15 : memref<!tpu.dma_semaphore, #tpu.memory_space<semaphore_mem>>)
      %add3A_121 = arith.addi %rem3A_3, %mul3A_117 : i32
      %dma_start3A_122 = tpu.memref_slice %arg3[%add3A_121] : memref<4194304xf32, #tpu.memory_space<hbm>> -> memref<8192xf32, #tpu.memory_space<hbm>>
      %dma_start3A_123 = tpu.memref_slice %arg3[%add3A_121] : memref<4194304xf32, #tpu.memory_space<hbm>> -> memref<8192xf32, #tpu.memory_space<hbm>>
      tpu.enqueue_dma source(%dma_start3A_123 : memref<8192xf32, #tpu.memory_space<hbm>>) target(%arg11 : memref<8192xf32, #tpu.memory_space<vmem>>) target_semaphore(%arg19 : memref<!tpu.dma_semaphore, #tpu.memory_space<semaphore_mem>>)
      %mul3A_124 = arith.constant 4 : i32
      %mul3A_125 = arith.muli %scan3A_55, %mul3A_124 : i32
      %add3A_126 = arith.constant 3 : i32
      %add3A_127 = arith.addi %mul3A_125, %add3A_126 : i32
      %dma_wait3A_128 = tpu.memref_slice %arg2[%mul3A_2] : memref<16777216xf32, #tpu.memory_space<hbm>> -> memref<8192xf32, #tpu.memory_space<hbm>>
      %dma_wait3A_129 = tpu.memref_slice %arg2[%mul3A_2] : memref<16777216xf32, #tpu.memory_space<hbm>> -> memref<8192xf32, #tpu.memory_space<hbm>>
      tpu.wait_dma2 semaphore(%arg16 : memref<!tpu.dma_semaphore, #tpu.memory_space<semaphore_mem>>) src(%dma_wait3A_129 : memref<8192xf32, #tpu.memory_space<hbm>>) dst(%arg8 : memref<8192xf32, #tpu.memory_space<vmem>>)
      %dma_wait3A_130 = tpu.memref_slice %arg3[%rem3A_3] : memref<4194304xf32, #tpu.memory_space<hbm>> -> memref<8192xf32, #tpu.memory_space<hbm>>
      %dma_wait3A_131 = tpu.memref_slice %arg3[%rem3A_3] : memref<4194304xf32, #tpu.memory_space<hbm>> -> memref<8192xf32, #tpu.memory_space<hbm>>
      tpu.wait_dma2 semaphore(%arg20 : memref<!tpu.dma_semaphore, #tpu.memory_space<semaphore_mem>>) src(%dma_wait3A_131 : memref<8192xf32, #tpu.memory_space<hbm>>) dst(%arg12 : memref<8192xf32, #tpu.memory_space<vmem>>)
      %mul3A_132 = arith.constant 8192 : i32
      %mul3A_133 = arith.muli %add3A_127, %mul3A_132 : i32
      %add3A_134 = arith.addi %mul3A_2, %mul3A_133 : i32
      "tpu.region"() ({
        %run_scoped3A = tpu.sem_alloc : memref<!tpu.dma_semaphore, #tpu.memory_space<semaphore_mem>>
        %dma_start3A_147 = tpu.memref_slice %arg4[%add3A_134] : memref<16777216xf32, #tpu.memory_space<hbm>> -> memref<8192xf32, #tpu.memory_space<hbm>>
        %dma_start3A_148 = tpu.memref_slice %arg4[%add3A_134] : memref<16777216xf32, #tpu.memory_space<hbm>> -> memref<8192xf32, #tpu.memory_space<hbm>>
        tpu.enqueue_dma source(%arg12 : memref<8192xf32, #tpu.memory_space<vmem>>) target(%dma_start3A_148 : memref<8192xf32, #tpu.memory_space<hbm>>) target_semaphore(%run_scoped3A : memref<!tpu.dma_semaphore, #tpu.memory_space<semaphore_mem>>)
        %dma_wait3A_149 = tpu.memref_slice %arg4[%add3A_134] : memref<16777216xf32, #tpu.memory_space<hbm>> -> memref<8192xf32, #tpu.memory_space<hbm>>
        %dma_wait3A_150 = tpu.memref_slice %arg4[%add3A_134] : memref<16777216xf32, #tpu.memory_space<hbm>> -> memref<8192xf32, #tpu.memory_space<hbm>>
        tpu.wait_dma2 semaphore(%run_scoped3A : memref<!tpu.dma_semaphore, #tpu.memory_space<semaphore_mem>>) src(%arg12 : memref<8192xf32, #tpu.memory_space<vmem>>) dst(%dma_wait3A_150 : memref<8192xf32, #tpu.memory_space<hbm>>)
        tpu.yield
      }) : () -> ()
      %add3A_135 = arith.constant 4 : i32
      %add3A_136 = arith.addi %add3A_127, %add3A_135 : i32
      %min3A_137 = arith.constant 63 : i32
      %min3A_138 = arith.minsi %add3A_136, %min3A_137 : i32
      %mul3A_139 = arith.constant 8192 : i32
      %mul3A_140 = arith.muli %min3A_138, %mul3A_139 : i32
      %add3A_141 = arith.addi %mul3A_2, %mul3A_140 : i32
      %dma_start3A_142 = tpu.memref_slice %arg2[%add3A_141] : memref<16777216xf32, #tpu.memory_space<hbm>> -> memref<8192xf32, #tpu.memory_space<hbm>>
      %dma_start3A_143 = tpu.memref_slice %arg2[%add3A_141] : memref<16777216xf32, #tpu.memory_space<hbm>> -> memref<8192xf32, #tpu.memory_space<hbm>>
      tpu.enqueue_dma source(%dma_start3A_143 : memref<8192xf32, #tpu.memory_space<hbm>>) target(%arg8 : memref<8192xf32, #tpu.memory_space<vmem>>) target_semaphore(%arg16 : memref<!tpu.dma_semaphore, #tpu.memory_space<semaphore_mem>>)
      %add3A_144 = arith.addi %rem3A_3, %mul3A_140 : i32
      %dma_start3A_145 = tpu.memref_slice %arg3[%add3A_144] : memref<4194304xf32, #tpu.memory_space<hbm>> -> memref<8192xf32, #tpu.memory_space<hbm>>
      %dma_start3A_146 = tpu.memref_slice %arg3[%add3A_144] : memref<4194304xf32, #tpu.memory_space<hbm>> -> memref<8192xf32, #tpu.memory_space<hbm>>
      tpu.enqueue_dma source(%dma_start3A_146 : memref<8192xf32, #tpu.memory_space<hbm>>) target(%arg12 : memref<8192xf32, #tpu.memory_space<vmem>>) target_semaphore(%arg20 : memref<!tpu.dma_semaphore, #tpu.memory_space<semaphore_mem>>)
    }
    %scan3A_39 = arith.constant 16 : i32
    %dma_wait3A = tpu.memref_slice %arg2[%mul3A_2] : memref<16777216xf32, #tpu.memory_space<hbm>> -> memref<8192xf32, #tpu.memory_space<hbm>>
    %dma_wait3A_40 = tpu.memref_slice %arg2[%mul3A_2] : memref<16777216xf32, #tpu.memory_space<hbm>> -> memref<8192xf32, #tpu.memory_space<hbm>>
    tpu.wait_dma2 semaphore(%arg13 : memref<!tpu.dma_semaphore, #tpu.memory_space<semaphore_mem>>) src(%dma_wait3A_40 : memref<8192xf32, #tpu.memory_space<hbm>>) dst(%arg5 : memref<8192xf32, #tpu.memory_space<vmem>>)
    %dma_wait3A_41 = tpu.memref_slice %arg3[%rem3A_3] : memref<4194304xf32, #tpu.memory_space<hbm>> -> memref<8192xf32, #tpu.memory_space<hbm>>
    %dma_wait3A_42 = tpu.memref_slice %arg3[%rem3A_3] : memref<4194304xf32, #tpu.memory_space<hbm>> -> memref<8192xf32, #tpu.memory_space<hbm>>
    tpu.wait_dma2 semaphore(%arg17 : memref<!tpu.dma_semaphore, #tpu.memory_space<semaphore_mem>>) src(%dma_wait3A_42 : memref<8192xf32, #tpu.memory_space<hbm>>) dst(%arg9 : memref<8192xf32, #tpu.memory_space<vmem>>)
    %dma_wait3A_43 = tpu.memref_slice %arg2[%mul3A_2] : memref<16777216xf32, #tpu.memory_space<hbm>> -> memref<8192xf32, #tpu.memory_space<hbm>>
    %dma_wait3A_44 = tpu.memref_slice %arg2[%mul3A_2] : memref<16777216xf32, #tpu.memory_space<hbm>> -> memref<8192xf32, #tpu.memory_space<hbm>>
    tpu.wait_dma2 semaphore(%arg14 : memref<!tpu.dma_semaphore, #tpu.memory_space<semaphore_mem>>) src(%dma_wait3A_44 : memref<8192xf32, #tpu.memory_space<hbm>>) dst(%arg6 : memref<8192xf32, #tpu.memory_space<vmem>>)
    %dma_wait3A_45 = tpu.memref_slice %arg3[%rem3A_3] : memref<4194304xf32, #tpu.memory_space<hbm>> -> memref<8192xf32, #tpu.memory_space<hbm>>
    %dma_wait3A_46 = tpu.memref_slice %arg3[%rem3A_3] : memref<4194304xf32, #tpu.memory_space<hbm>> -> memref<8192xf32, #tpu.memory_space<hbm>>
    tpu.wait_dma2 semaphore(%arg18 : memref<!tpu.dma_semaphore, #tpu.memory_space<semaphore_mem>>) src(%dma_wait3A_46 : memref<8192xf32, #tpu.memory_space<hbm>>) dst(%arg10 : memref<8192xf32, #tpu.memory_space<vmem>>)
    %dma_wait3A_47 = tpu.memref_slice %arg2[%mul3A_2] : memref<16777216xf32, #tpu.memory_space<hbm>> -> memref<8192xf32, #tpu.memory_space<hbm>>
    %dma_wait3A_48 = tpu.memref_slice %arg2[%mul3A_2] : memref<16777216xf32, #tpu.memory_space<hbm>> -> memref<8192xf32, #tpu.memory_space<hbm>>
    tpu.wait_dma2 semaphore(%arg15 : memref<!tpu.dma_semaphore, #tpu.memory_space<semaphore_mem>>) src(%dma_wait3A_48 : memref<8192xf32, #tpu.memory_space<hbm>>) dst(%arg7 : memref<8192xf32, #tpu.memory_space<vmem>>)
    %dma_wait3A_49 = tpu.memref_slice %arg3[%rem3A_3] : memref<4194304xf32, #tpu.memory_space<hbm>> -> memref<8192xf32, #tpu.memory_space<hbm>>
    %dma_wait3A_50 = tpu.memref_slice %arg3[%rem3A_3] : memref<4194304xf32, #tpu.memory_space<hbm>> -> memref<8192xf32, #tpu.memory_space<hbm>>
    tpu.wait_dma2 semaphore(%arg19 : memref<!tpu.dma_semaphore, #tpu.memory_space<semaphore_mem>>) src(%dma_wait3A_50 : memref<8192xf32, #tpu.memory_space<hbm>>) dst(%arg11 : memref<8192xf32, #tpu.memory_space<vmem>>)
    %dma_wait3A_51 = tpu.memref_slice %arg2[%mul3A_2] : memref<16777216xf32, #tpu.memory_space<hbm>> -> memref<8192xf32, #tpu.memory_space<hbm>>
    %dma_wait3A_52 = tpu.memref_slice %arg2[%mul3A_2] : memref<16777216xf32, #tpu.memory_space<hbm>> -> memref<8192xf32, #tpu.memory_space<hbm>>
    tpu.wait_dma2 semaphore(%arg16 : memref<!tpu.dma_semaphore, #tpu.memory_space<semaphore_mem>>) src(%dma_wait3A_52 : memref<8192xf32, #tpu.memory_space<hbm>>) dst(%arg8 : memref<8192xf32, #tpu.memory_space<vmem>>)
    %dma_wait3A_53 = tpu.memref_slice %arg3[%rem3A_3] : memref<4194304xf32, #tpu.memory_space<hbm>> -> memref<8192xf32, #tpu.memory_space<hbm>>
    %dma_wait3A_54 = tpu.memref_slice %arg3[%rem3A_3] : memref<4194304xf32, #tpu.memory_space<hbm>> -> memref<8192xf32, #tpu.memory_space<hbm>>
    tpu.wait_dma2 semaphore(%arg20 : memref<!tpu.dma_semaphore, #tpu.memory_space<semaphore_mem>>) src(%dma_wait3A_54 : memref<8192xf32, #tpu.memory_space<hbm>>) dst(%arg12 : memref<8192xf32, #tpu.memory_space<vmem>>)
    return
  }
}

</mosaic_0001>

<sc_bundles>
// kernel: kernel.3.cloned.1.call-start
scs
__scs_entry_jumppad:
0x0: {  	(pc) =	sbr.rel $0x88, $3  }
0x1: {  	(tag) =	ssettag $0x0;
	lr =	simm.s32 $0x1  }
0x2: {  	[smem:$0x3F9F] =	sst lr;
	_ =	strace $0xD0000000  }
0x3: {  	_ = 	snop  }
0x4: {  	_ = 	snop  }
0x5: {  	_ = 	snop  }
0x6: {  	_ = 	snop  }
0x7: {  	_ = 	snop  }
__scs_overlays_trampoline_lowered:
0x8: {  	[smem:$0x3FAE] =	sst s0  }
0x9: {  	[smem:$0x3FAF] =	sst s1  }
0xa: {  	[smem:$0x3FB0] =	sst s2  }
0xb: {  	[smem:$0x3FB1] =	sst s3  }
0xc: {  	[smem:$0x3FB2] =	sst s4  }
0xd: {  	[smem:$0x3FB3] =	sst s5  }
0xe: {  	[smem:$0x3FB4] =	sst s6  }
0xf: {  	[smem:$0x3FB5] =	sst s7  }
0x10: {  	[smem:$0x3FB6] =	sst s8  }
0x11: {  	[smem:$0x3FB7] =	sst s9;
	s0 =	simm.s32 @!p0 $0x0  }
0x12: {  	s1 =	sld [smem:$0x3F9D];
	s0 =	simm.s32 @p0 $0x1  }
0x13: {  	[smem:$0x3FB8] =	sst s0;
	s0 =	simm.s32 @!p1 $0x0  }
0x14: {  	s2 =	sld [smem:$0x3F9C];
	s0 =	simm.s32 @p1 $0x1  }
0x15: {  	[smem:$0x3FB9] =	sst s0;
	s0 =	simm.s32 @!p2 $0x0  }
0x16: {  	s3 =	sld [smem:$0x3FDB];
	s0 =	simm.s32 @p2 $0x1  }
0x17: {  	s4 =	simm.s32 $0x1BF5;
	[smem:$0x3FBB] =	sst s0  }
0x18: {  	s0 =	sld [smem:$0x3F9E];
	_ =	swait.ge [sflag:s4], $0x0  }
0x19: {  	s7 =	sld [smem:$0x3F9F]  }
0x1a: {  	s8 =	sadd.s32 $0xFFFFE003, lr  }
0x1b: {  	s9 =	sadd.s32 $0xFFFFFEF7, lr;
	s5 =	simm.s32 $0xFFFFFFFF;
	p2 =	slt.u32 s8, $0xFFFFF086  }
0x1c: {  	p1 =	slt.u32 s9, $0xF7A;
	s5 =	simm.s32 @!p2 $0x0  }
0x1d: {  	s5 =	simm.s32 @p1 $0x1;
	p0 =	seq.s32 s7, s2  }
0x1e: {  	s7 =	smul.u32 @!p0 $0xF7A, s2;
	p2 =	seq.s32 @!p0 s5, $0x0  }
0x1f: {  	s9 =	smul.u32 $0xF7A, s1;
	s8 =	simm.s32 @!p0 $0x1BF5;
	p2 =	por !p2, p0  }
0x20: {  	[sflag:s8] =	ssyncset.s32 @!p0 $0xFFFFF086;
	s6 =	sadd.s32 @!p0 s3, s7;
	s7 =	simm.s32 @!p0 $0x108  }
0x21: {  	s3 =	sadd.s32 s3, s9;
	s6 =	sadd.s32 @!p0 $0x88, s6;
	s7 =	simm.s32 @p2 $0x1082  }
0x22: {  	[simem:s7], [sflag:s8] =	dma.local @!p0 [hbm:s6], $0xF7A  }
0x23: {  	s9 =	sor.u32 $0xD0000000, s2;
	s6 =	simm.s32 $0x108;
	_ =	swait.ge @!p0 [sflag:s8], $0x0  }
0x24: {  	s3 =	sadd.s32 $0x88, s3;
	s6 =	simm.s32 @!p1 $0x1082;
	[sflag:s4] =	ssyncset.s32 $0xFFFFF086  }
0x25: {  	[simem:s6], [sflag:s4] =	dma.local [hbm:s3], $0xF7A  }
0x26: {  	[smem:$0x3F9F] =	sst s1;
	(tag) =	ssettag s2;
	_ =	strace s9  }
0x27: {  	s1 =	sld [smem:$0x3FAF]  }
0x28: {  	s2 =	sld [smem:$0x3FB0]  }
0x29: {  	s4 =	sld [smem:$0x3FB2]  }
0x2a: {  	p0 =	seq.s32 s5, $0x0;
	s5 =	sld [smem:$0x3FB3]  }
0x2b: {  	s6 =	sld [smem:$0x3FB4]  }
0x2c: {  	s7 =	sld [smem:$0x3FB5]  }
0x2d: {  	s3 =	simm.s32 $0x108;
	s8 =	sld [smem:$0x3FB6]  }
0x2e: {  	s3 =	simm.s32 @!p0 $0x1082;
	s9 =	sld [smem:$0x3FB7]  }
0x2f: {  	lr =	sadd.s32 s0, s3;
	s0 =	sld [smem:$0x3FAE]  }
0x30: {  	s3 =	sld [smem:$0x3FB1]  }
0x31: {  	[smem:$0x3FBA] =	sst s10  }
0x32: {  	s10 =	sld [smem:$0x3FB8];
	_ =	sdelay $0x3  }
0x33: {  	p0 =	seq.s32 s10, $0x1;
	s10 =	sld [smem:$0x3FBA];
	_ =	sdelay $0x3  }
0x34: {  	[smem:$0x3FBA] =	sst s10  }
0x35: {  	s10 =	sld [smem:$0x3FB9];
	_ =	sdelay $0x3  }
0x36: {  	p1 =	seq.s32 s10, $0x1;
	s10 =	sld [smem:$0x3FBA];
	_ =	sdelay $0x3  }
0x37: {  	[smem:$0x3FBA] =	sst s10  }
0x38: {  	s10 =	sld [smem:$0x3FBB]  }
0x39: {  	_ = 	snop;
	(pc) =	sbr.ind lr, $3  }
0x3a: {  	_ = 	snop  }
0x3b: {  	_ = 	snop  }
0x3c: {  	p2 =	seq.s32 s10, $0x1;
	s10 =	sld [smem:$0x3FBA]  }
0x3d: {  	_ =	shalt  }
0x3e: {  	_ =	shalt  }
0x3f: {  	_ =	shalt  }
0x40: {  	_ =	shalt  }
0x41: {  	_ =	shalt  }
0x42: {  	_ =	shalt  }
0x43: {  	_ =	shalt  }
0x44: {  	_ =	shalt  }
0x45: {  	_ =	shalt  }
0x46: {  	_ =	shalt  }
0x47: {  	_ =	shalt  }
0x48: {  	_ =	shalt  }
0x49: {  	_ =	shalt  }
0x4a: {  	_ =	shalt  }
0x4b: {  	_ =	shalt  }
0x4c: {  	_ =	shalt  }
0x4d: {  	_ =	shalt  }
0x4e: {  	_ =	shalt  }
0x4f: {  	_ =	shalt  }
0x50: {  	_ =	shalt  }
0x51: {  	_ =	shalt  }
0x52: {  	_ =	shalt  }
0x53: {  	_ =	shalt  }
0x54: {  	_ =	shalt  }
0x55: {  	_ =	shalt  }
0x56: {  	_ =	shalt  }
0x57: {  	_ =	shalt  }
0x58: {  	_ =	shalt  }
0x59: {  	_ =	shalt  }
0x5a: {  	_ =	shalt  }
0x5b: {  	_ =	shalt  }
0x5c: {  	_ =	shalt  }
0x5d: {  	_ =	shalt  }
0x5e: {  	_ =	shalt  }
0x5f: {  	_ =	shalt  }
0x60: {  	_ =	shalt  }
0x61: {  	_ =	shalt  }
0x62: {  	_ =	shalt  }
0x63: {  	_ =	shalt  }
0x64: {  	_ =	shalt  }
0x65: {  	_ =	shalt  }
0x66: {  	_ =	shalt  }
0x67: {  	_ =	shalt  }
0x68: {  	_ =	shalt  }
0x69: {  	_ =	shalt  }
0x6a: {  	_ =	shalt  }
0x6b: {  	_ =	shalt  }
0x6c: {  	_ =	shalt  }
0x6d: {  	_ =	shalt  }
0x6e: {  	_ =	shalt  }
0x6f: {  	_ =	shalt  }
0x70: {  	_ =	shalt  }
0x71: {  	_ =	shalt  }
0x72: {  	_ =	shalt  }
0x73: {  	_ =	shalt  }
0x74: {  	_ =	shalt  }
0x75: {  	_ =	shalt  }
0x76: {  	_ =	shalt  }
0x77: {  	_ =	shalt  }
0x78: {  	_ =	shalt  }
0x79: {  	_ =	shalt  }
0x7a: {  	_ =	shalt  }
0x7b: {  	_ =	shalt  }
0x7c: {  	_ =	shalt  }
0x7d: {  	_ =	shalt  }
0x7e: {  	_ =	shalt  }
0x7f: {  	_ =	shalt  }
0x80: {  	_ =	shalt  }
0x81: {  	_ =	shalt  }
0x82: {  	_ =	shalt  }
0x83: {  	_ =	shalt  }
0x84: {  	_ =	shalt  }
0x85: {  	_ =	shalt  }
0x86: {  	_ =	shalt  }
0x87: {  	_ =	shalt  }
.Lfunc_end0:
.L_simem_size_0:
called_computation.1_lowered:
.L_overlay_start_0:
0x88: {  	s2 =	sld [smem:$0x3FD9]  }
0x89: {  	s3 =	sld [smem:$0x3FFE];
	_ =	sdelay $0x1  }
0x8a: {  	s1 =	srdreg.scid  }
0x8b: {  	s0 =	sand.u32 $0x1, s1  }
0x8c: {  	s17 =	sshll.u32 s0, $0xA;
	s2 =	sadd.s32 s3, s2  }
0x8d: {  	s2 =	sadd.s32 s2, s17  }
0x8e: {  	[smem:$0x3FC6] =	sst s2  }
0x8f: {  	_ = 	snop  }
0x90: {  	s2 =	sld [smem:$0x3FD0];
	(tm) =	ssettm $0x1  }
0x91: {  	s18 =	sld [smem:$0x3FFB];
	_ =	sdelay $0x3  }
0x92: {  	_ =	strace s18  }
0x93: {  	s3 =	sld [smem:$0x3FFC];
	_ =	sdelay $0x3  }
0x94: {  	_ =	strace s3  }
0x95: {  	s3 =	sld [smem:$0x3FFD];
	_ =	sdelay $0x3  }
0x96: {  	_ =	strace s3  }
0x97: {  	_ =	strace $0x8FFFFFFF  }
0x98: {  	s19 =	sld [smem:$0x3FDB];
	_ =	sdelay $0x1  }
0x99: {  	s4 =	simm.s32 $_scs_section_size  }
0x9a: {  	s5 =	simm.s32 $_size__tile_overlayer_lowered;
	s6 =	simm.s32 $_tile_overlayer_lowered  }
0x9b: {  	s22 =	simm.s32 $0x1BFF;
	s21 =	sshll.u32 s6, $0x1;
	s3 =	sadd.s32 s4, s19  }
0x9c: {  	s7 =	simm.s32 $0x0;
	s20 =	sshll.u32 s5, $0x1;
	s5 =	sadd.s32 s21, s3  }
0x9d: {  	[timem:s7], [sflag:s22] =	dma.local [hbm:s5], s20  }
0x9e: {  	_ =	swait.ge [sflag:s22], s20  }
0x9f: {  	s4 =	ssub.s32 $0x0, s20;
	[sflag:s22] =	ssyncset.done $0x0  }
0xa0: {  	[sflag:s22] =	ssyncadd.s32 s4;
	_ =	sdelay $0x1  }
0xa1: {  	s23 =	simm.s32 $0x1B8B  }
0xa2: {  	_ =	swait.ge [sflag:s23], $0x1  }
0xa3: {  	[sflag:s23] =	ssyncset.done $0x0  }
0xa4: {  	s25 =	simm.s32 $0x1B8E;
	s24 =	sld [smem:$0x3FFE];
	[sflag:s23] =	ssyncadd.s32 $0xFFFFFFFF  }
0xa5: {  	s26 =	simm.s32 $execute0_lowered;
	[smem:$0x3FD2] =	sst s25  }
0xa6: {  	s5 =	sshll.u32 s26, $0x1;
	_ =	strace $0x80000049;
	[dreg:$0x1] =	wrdreg $0xFFFFFFFF  }
0xa7: {  	s28 =	simm.s32 $_size_execute0_lowered;
	s3 =	sadd.s32 s3, s5;
	[dreg:$0x0] =	wrdreg $0x0  }
0xa8: {  	s5 =	sshll.u32 s28, $0x1;
	[dreg:$0x2] =	wrdreg s3  }
0xa9: {  	[dreg:$0x3] =	wrdreg s5  }
0xaa: {  	[dreg:$0x4] =	wrdreg $0xC0  }
0xab: {  	_ =	task [dreg:s7], $0x5FFFF  }
0xac: {  	[dreg:$0x1] =	wrdreg $0xFFFFFFFF  }
0xad: {  	[dreg:$0x0] =	wrdreg $0x60  }
0xae: {  	[dreg:$0x2] =	wrdreg s2  }
0xaf: {  	[dreg:$0x3] =	wrdreg s24  }
0xb0: {  	[dreg:$0x4] =	wrdreg $0x9  }
0xb1: {  	_ =	task.clear_ibuf [dreg:s7], $0x5FFFF;
	_ =	strace $0x90000049  }
0xb2: {  	s29 =	simm.s32 $0x9;
	_ =	strace $0x8000004B  }
0xb3: {  	_ =	swait.ge [sflag:s29], $0x1  }
0xb4: {  	[sflag:s29] =	ssyncadd.s32 $0xFFFFFFFF  }
0xb5: {  	_ =	strace $0x9000004B  }
0xb6: {  	_ =	sfence  }
0xb7: {  	s30 =	sld [smem:$0x0];
	_ =	sdelay $0x2  }
0xb8: {  	s31 =	sshll.u32 s1, $0xD;
	s1 =	sshrl.u32 s1, $0x2  }
0xb9: {  	s3 =	sand.u32 $0x4000, s31;
	s1 =	sadd.s32 s1, s30  }
0xba: {  	s0 =	sor.u32 s3, s0;
	s1 =	sshll.u32 s1, $0x11  }
0xbb: {  	s0 =	sor.u32 s1, s0  }
0xbc: {  	s0 =	sadd.s32 $0x8F2B, s0  }
0xbd: {  	[sflag:s0] =	ssyncadd.remote.s32 $0x1  }
0xbe: {  	_ =	sfence.sel $0xFFFF  }
0xbf: {  	[dreg:$0x0] =	wrdreg $0xFFFFFFFF;
	(pc) =	sbr.abs _section_cstart, $3  }
0xc0: {  	[dreg:$0x1] =	wrdreg $0xFFFFFFFF  }
0xc1: {  	_ =	task.clear_ibuf [dreg:s7], $0x2FFFF;
	_ =	strace $0x9FFFFFFF  }
0xc2: {  	(tm) =	ssettm $0x7FFFFFFF  }
0xc3: {  	_ =	shalt  }
tec
execute0_lowered:
.L_overlay_start_1:
0x0: {  	(tag) =	ssettag $0x1  }
0x1: {  	s1 =	rddreg [dreg:$0x0]  }
0x2: {  	s0 =	rddreg [dreg:$0x1];
	s2 =	srdreg.scid;
	s3 =	simm.s32 $0x0  }
0x3: {  	s4 =	stileid.u32;
	s16 =	simm.s32 $0x8000;
	s17 =	simm.s32 $0x2000  }
0x4: {  	s18 =	simm.s32 $0xA000;
	s19 =	simm.s32 $0x4000;
	s20 =	simm.s32 $0xC000  }
0x5: {  	s21 =	simm.s32 $0x6000;
	s28 =	simm.s32 $0x6;
	s29 =	simm.s32 $0x3  }
0x6: {  	s30 =	simm.s32 $0x7;
	s31 =	simm.s32 $0x4;
	s2 =	sand.u32 $0x1, s2  }
0x7: {  	[smem:$0x7FF] =	sst s3;
	s4 =	sshll.u32 s4, $0x14;
	s5 =	sshll.u32 s2, $0x13  }
0x8: {  	_ =	strace $0x8000004A;
	s2 =	ssub.s32 $0x2, s2;
	s4 =	sor.u32 s5, s4  }
0x9: {  	s5 =	sadd.s32 $0xA00, s0;
	s9 =	sshrl.u32 s2, $0x1;
	s7 =	sshrl.u32 s4, $0x3  }
0xa: {  	s6 =	sand.u32 $0x380000, s4;
	s2 =	ssub.s32 s2, s9;
	s0 =	sadd.s32 s7, s0  }
0xb: {  	s8 =	sshrl.u32 s6, $0x3;
	s7 =	sadd.s32 s1, s7;
	s15 =	smax.u32 s2, $0x1  }
0xc: {  	s2 =	simm.s32 $0x0;
	s8 =	sadd.s32 s5, s8;
	s22 =	sadd.s32 $0x400, s7  }
0xd: {  	s24 =	sadd.s32 $0x800, s7;
	s26 =	sadd.s32 $0xC00, s7;
	[dreg:$0x4] =	wrdreg s22  }
0xe: {  	s0 =	sadd.s32 $0x80A00, s0;
	s23 =	sadd.s32 $0x400, s8;
	[dreg:$0x6] =	wrdreg s24  }
0xf: {  	s25 =	sadd.s32 $0x800, s8;
	[dreg:$0x8] =	wrdreg s26;
	s14 =	sadd.s32 $0xC00, s8  }
0x10: {  	[dreg:$0x3] =	wrdreg s0;
	s22 =	simm.s32 $0xE000;
	s24 =	simm.s32 $0x5  }
0x11: {  	s26 =	simm.s32 $0x2;
	s0 =	simm.s32 $0x8;
	[dreg:$0x5] =	wrdreg s23  }
0x12: {  	[dreg:$0x7] =	wrdreg s25;
	s23 =	simm.s32 $0x1;
	s25 =	simm.s32 $0x9  }
.LBB2_1:
0x13: {  	[tilespmem:s3], [sflag:$0x1] =	stream.linear.gather [hbm4b:s7+s3], $0x2000, $0x38;
	[tilespmem:$0x10000] =	vst v63  }
0x14: {  	_ = 	snop  }
0x15: {  	[tilespmem:s16], [sflag:$0x5] =	stream.linear.gather [hbm4b:s8+s3], $0x2000, $0x38;
	[tilespmem:$0x10000] =	vst v63  }
0x16: {  	s9 =	rddreg [dreg:$0x4]  }
0x17: {  	[tilespmem:s17], [sflag:$0x2] =	stream.linear.gather [hbm4b:s9+s3], $0x2000, $0x38;
	[tilespmem:$0x10000] =	vst v63  }
0x18: {  	s12 =	rddreg [dreg:$0x5]  }
0x19: {  	[tilespmem:s18], [sflag:$0x6] =	stream.linear.gather [hbm4b:s12+s3], $0x2000, $0x38;
	[tilespmem:$0x10000] =	vst v63  }
0x1a: {  	s13 =	rddreg [dreg:$0x6]  }
0x1b: {  	[tilespmem:s19], [sflag:$0x3] =	stream.linear.gather [hbm4b:s13+s3], $0x2000, $0x38;
	[tilespmem:$0x10000] =	vst v63  }
0x1c: {  	s10 =	rddreg [dreg:$0x7]  }
0x1d: {  	[tilespmem:s20], [sflag:$0x7] =	stream.linear.gather [hbm4b:s10+s3], $0x2000, $0x38;
	[tilespmem:$0x10000] =	vst v63  }
0x1e: {  	s11 =	rddreg [dreg:$0x8]  }
0x1f: {  	[tilespmem:s21], [sflag:$0x4] =	stream.linear.gather [hbm4b:s11+s3], $0x2000, $0x38;
	[tilespmem:$0x10000] =	vst v63  }
0x20: {  	_ = 	snop  }
0x21: {  	[tilespmem:s22], [sflag:$0x8] =	stream.linear.gather [hbm4b:s14+s3], $0x2000, $0x38;
	[tilespmem:$0x10000] =	vst v63  }
0x22: {  	_ =	swait.ge [sflag:s23], $0x2000  }
0x23: {  	[sflag:s23] =	ssyncset.done $0x0  }
0x24: {  	[sflag:s23] =	ssyncadd.s32 $0xFFFFE000  }
0x25: {  	s10 =	smin.u32 s3, $0x3B;
	_ =	swait.ge [sflag:s24], $0x2000  }
0x26: {  	s11 =	sshll.u32 s10, $0xD;
	s12 =	rddreg [dreg:$0x3];
	[sflag:s24] =	ssyncset.done $0x0  }
0x27: {  	s13 =	sadd.s32 $0x8000, s11;
	[sflag:s24] =	ssyncadd.s32 $0xFFFFE000;
	s10 =	sadd.s32 $0x0, s12  }
0x28: {  	[hbm4b:s10+s3] =	stream.linear.scatter [tilespmem:s16], [sflag:$0x9], $0x2000, $0x38;
	[tilespmem:$0x10000] =	vst v63  }
0x29: {  	s11 =	sadd.s32 s4, s13;
	_ =	swait.ge [sflag:s25], $0x2000  }
0x2a: {  	s9 =	sadd.s32 s6, s13;
	s11 =	sshrl.u32 s11, $0x3;
	[sflag:s25] =	ssyncset.done $0x0  }
0x2b: {  	s9 =	sshrl.u32 s9, $0x3;
	s11 =	sadd.s32 s1, s11;
	[sflag:s25] =	ssyncadd.s32 $0xFFFFE000  }
0x2c: {  	[tilespmem:s3], [sflag:$0x1] =	stream.linear.gather [hbm4b:s11+s3], $0x2000, $0x38;
	[tilespmem:$0x10000] =	vst v63  }
0x2d: {  	s9 =	sadd.s32 s5, s9  }
0x2e: {  	[tilespmem:s16], [sflag:$0x5] =	stream.linear.gather [hbm4b:s9+s3], $0x2000, $0x38;
	[tilespmem:$0x10000] =	vst v63  }
0x2f: {  	_ =	swait.ge [sflag:s26], $0x2000  }
0x30: {  	[sflag:s26] =	ssyncset.done $0x0  }
0x31: {  	[sflag:s26] =	ssyncadd.s32 $0xFFFFE000  }
0x32: {  	s11 =	smin.u32 s3, $0x3A;
	_ =	swait.ge [sflag:s28], $0x2000  }
0x33: {  	s9 =	sshll.u32 s11, $0xD;
	[sflag:s28] =	ssyncset.done $0x0  }
0x34: {  	s12 =	sadd.s32 $0x400, s10;
	s9 =	sadd.s32 $0xA000, s9;
	[sflag:s28] =	ssyncadd.s32 $0xFFFFE000  }
0x35: {  	[hbm4b:s12+s3] =	stream.linear.scatter [tilespmem:s18], [sflag:$0x9], $0x2000, $0x38;
	[tilespmem:$0x10000] =	vst v63  }
0x36: {  	s13 =	sadd.s32 s4, s9;
	_ =	swait.ge [sflag:s25], $0x2000  }
0x37: {  	s9 =	sadd.s32 s6, s9;
	s11 =	sshrl.u32 s13, $0x3;
	[sflag:s25] =	ssyncset.done $0x0  }
0x38: {  	s9 =	sshrl.u32 s9, $0x3;
	s11 =	sadd.s32 s1, s11;
	[sflag:s25] =	ssyncadd.s32 $0xFFFFE000  }
0x39: {  	[tilespmem:s17], [sflag:$0x2] =	stream.linear.gather [hbm4b:s11+s3], $0x2000, $0x38;
	[tilespmem:$0x10000] =	vst v63  }
0x3a: {  	s9 =	sadd.s32 s5, s9  }
0x3b: {  	[tilespmem:s18], [sflag:$0x6] =	stream.linear.gather [hbm4b:s9+s3], $0x2000, $0x38;
	[tilespmem:$0x10000] =	vst v63  }
0x3c: {  	_ =	swait.ge [sflag:s29], $0x2000  }
0x3d: {  	[sflag:s29] =	ssyncset.done $0x0  }
0x3e: {  	[sflag:s29] =	ssyncadd.s32 $0xFFFFE000  }
0x3f: {  	s11 =	smin.u32 s3, $0x39;
	_ =	swait.ge [sflag:s30], $0x2000  }
0x40: {  	s9 =	sshll.u32 s11, $0xD;
	[sflag:s30] =	ssyncset.done $0x0  }
0x41: {  	s12 =	sadd.s32 $0x800, s10;
	s9 =	sadd.s32 $0xC000, s9;
	[sflag:s30] =	ssyncadd.s32 $0xFFFFE000  }
0x42: {  	[hbm4b:s12+s3] =	stream.linear.scatter [tilespmem:s20], [sflag:$0x9], $0x2000, $0x38;
	[tilespmem:$0x10000] =	vst v63  }
0x43: {  	s13 =	sadd.s32 s4, s9;
	_ =	swait.ge [sflag:s25], $0x2000  }
0x44: {  	s9 =	sadd.s32 s6, s9;
	s11 =	sshrl.u32 s13, $0x3;
	[sflag:s25] =	ssyncset.done $0x0  }
0x45: {  	s9 =	sshrl.u32 s9, $0x3;
	s11 =	sadd.s32 s1, s11;
	[sflag:s25] =	ssyncadd.s32 $0xFFFFE000  }
0x46: {  	[tilespmem:s19], [sflag:$0x3] =	stream.linear.gather [hbm4b:s11+s3], $0x2000, $0x38;
	[tilespmem:$0x10000] =	vst v63  }
0x47: {  	s9 =	sadd.s32 s5, s9  }
0x48: {  	[tilespmem:s20], [sflag:$0x7] =	stream.linear.gather [hbm4b:s9+s3], $0x2000, $0x38;
	[tilespmem:$0x10000] =	vst v63  }
0x49: {  	_ =	swait.ge [sflag:s31], $0x2000  }
0x4a: {  	[sflag:s31] =	ssyncset.done $0x0  }
0x4b: {  	[sflag:s31] =	ssyncadd.s32 $0xFFFFE000  }
0x4c: {  	s12 =	smin.u32 s3, $0x38;
	_ =	swait.ge [sflag:s0], $0x2000  }
0x4d: {  	s10 =	sadd.s32 $0xC00, s10;
	s11 =	sshll.u32 s12, $0xD;
	[sflag:s0] =	ssyncset.done $0x0  }
0x4e: {  	s11 =	sadd.s32 $0xE000, s11;
	s9 =	simm.s32 $0x1000;
	[sflag:s0] =	ssyncadd.s32 $0xFFFFE000  }
0x4f: {  	[hbm4b:s10+s3] =	stream.linear.scatter [tilespmem:s22], [sflag:$0x9], $0x2000, $0x38;
	[tilespmem:$0x10000] =	vst v63  }
0x50: {  	s13 =	sadd.s32 s4, s11;
	s11 =	sadd.s32 s6, s11;
	_ =	swait.ge [sflag:s25], $0x2000  }
0x51: {  	s11 =	sshrl.u32 s11, $0x3;
	s10 =	sshrl.u32 s13, $0x3;
	[sflag:s25] =	ssyncset.done $0x0  }
0x52: {  	s12 =	sadd.s32 s1, s10;
	s10 =	simm.s32 $0x4;
	[sflag:s25] =	ssyncadd.s32 $0xFFFFE000  }
.LBB2_2:
0x53: {  	[tilespmem:s21], [sflag:$0x4] =	stream.linear.gather [hbm4b:s12+s3], $0x2000, $0x38;
	[tilespmem:$0x10000] =	vst v63  }
0x54: {  	s11 =	sadd.s32 s5, s11  }
0x55: {  	[tilespmem:s22], [sflag:$0x8] =	stream.linear.gather [hbm4b:s11+s3], $0x2000, $0x38;
	[tilespmem:$0x10000] =	vst v63  }
0x56: {  	_ =	swait.ge [sflag:s23], $0x2000  }
0x57: {  	[sflag:s23] =	ssyncset.done $0x0  }
0x58: {  	[sflag:s23] =	ssyncadd.s32 $0xFFFFE000  }
0x59: {  	s12 =	smov.u32 s9;
	s13 =	smin.u32 s10, $0x3B;
	_ =	swait.ge [sflag:s24], $0x2000  }
0x5a: {  	s13 =	sshll.u32 s13, $0xD;
	s11 =	rddreg [dreg:$0x3];
	[sflag:s24] =	ssyncset.done $0x0  }
0x5b: {  	[sflag:s24] =	ssyncadd.s32 $0xFFFFE000;
	s11 =	sadd.s32 s12, s11;
	s12 =	sadd.s32 $0x8000, s13  }
0x5c: {  	[hbm4b:s11+s3] =	stream.linear.scatter [tilespmem:s16], [sflag:$0x9], $0x2000, $0x38;
	[tilespmem:$0x10000] =	vst v63  }
0x5d: {  	s13 =	sadd.s32 s4, s12;
	_ =	swait.ge [sflag:s25], $0x2000  }
0x5e: {  	s12 =	sadd.s32 s6, s12;
	s13 =	sshrl.u32 s13, $0x3;
	[sflag:s25] =	ssyncset.done $0x0  }
0x5f: {  	s12 =	sshrl.u32 s12, $0x3;
	s13 =	sadd.s32 s1, s13;
	[sflag:s25] =	ssyncadd.s32 $0xFFFFE000  }
0x60: {  	[tilespmem:s3], [sflag:$0x1] =	stream.linear.gather [hbm4b:s13+s3], $0x2000, $0x38;
	[tilespmem:$0x10000] =	vst v63  }
0x61: {  	s12 =	sadd.s32 s5, s12  }
0x62: {  	[tilespmem:s16], [sflag:$0x5] =	stream.linear.gather [hbm4b:s12+s3], $0x2000, $0x38;
	[tilespmem:$0x10000] =	vst v63  }
0x63: {  	_ =	swait.ge [sflag:s26], $0x2000  }
0x64: {  	[sflag:s26] =	ssyncset.done $0x0  }
0x65: {  	[sflag:s26] =	ssyncadd.s32 $0xFFFFE000  }
0x66: {  	s12 =	smin.u32 s10, $0x3A;
	_ =	swait.ge [sflag:s28], $0x2000  }
0x67: {  	s12 =	sshll.u32 s12, $0xD;
	[sflag:s28] =	ssyncset.done $0x0  }
0x68: {  	s13 =	sadd.s32 $0x400, s11;
	s12 =	sadd.s32 $0xA000, s12;
	[sflag:s28] =	ssyncadd.s32 $0xFFFFE000  }
0x69: {  	[hbm4b:s13+s3] =	stream.linear.scatter [tilespmem:s18], [sflag:$0x9], $0x2000, $0x38;
	[tilespmem:$0x10000] =	vst v63  }
0x6a: {  	s13 =	sadd.s32 s4, s12;
	_ =	swait.ge [sflag:s25], $0x2000  }
0x6b: {  	s12 =	sadd.s32 s6, s12;
	s13 =	sshrl.u32 s13, $0x3;
	[sflag:s25] =	ssyncset.done $0x0  }
0x6c: {  	s12 =	sshrl.u32 s12, $0x3;
	s13 =	sadd.s32 s1, s13;
	[sflag:s25] =	ssyncadd.s32 $0xFFFFE000  }
0x6d: {  	[tilespmem:s17], [sflag:$0x2] =	stream.linear.gather [hbm4b:s13+s3], $0x2000, $0x38;
	[tilespmem:$0x10000] =	vst v63  }
0x6e: {  	s12 =	sadd.s32 s5, s12  }
0x6f: {  	[tilespmem:s18], [sflag:$0x6] =	stream.linear.gather [hbm4b:s12+s3], $0x2000, $0x38;
	[tilespmem:$0x10000] =	vst v63  }
0x70: {  	_ =	swait.ge [sflag:s29], $0x2000  }
0x71: {  	[sflag:s29] =	ssyncset.done $0x0  }
0x72: {  	[sflag:s29] =	ssyncadd.s32 $0xFFFFE000  }
0x73: {  	s12 =	smin.u32 s10, $0x39;
	_ =	swait.ge [sflag:s30], $0x2000  }
0x74: {  	s12 =	sshll.u32 s12, $0xD;
	[sflag:s30] =	ssyncset.done $0x0  }
0x75: {  	s13 =	sadd.s32 $0x800, s11;
	s12 =	sadd.s32 $0xC000, s12;
	[sflag:s30] =	ssyncadd.s32 $0xFFFFE000  }
0x76: {  	[hbm4b:s13+s3] =	stream.linear.scatter [tilespmem:s20], [sflag:$0x9], $0x2000, $0x38;
	[tilespmem:$0x10000] =	vst v63  }
0x77: {  	s13 =	sadd.s32 s4, s12;
	_ =	swait.ge [sflag:s25], $0x2000  }
0x78: {  	s12 =	sadd.s32 s6, s12;
	s13 =	sshrl.u32 s13, $0x3;
	[sflag:s25] =	ssyncset.done $0x0  }
0x79: {  	s12 =	sshrl.u32 s12, $0x3;
	s13 =	sadd.s32 s1, s13;
	[sflag:s25] =	ssyncadd.s32 $0xFFFFE000  }
0x7a: {  	[tilespmem:s19], [sflag:$0x3] =	stream.linear.gather [hbm4b:s13+s3], $0x2000, $0x38;
	[tilespmem:$0x10000] =	vst v63  }
0x7b: {  	s12 =	sadd.s32 s5, s12  }
0x7c: {  	[tilespmem:s20], [sflag:$0x7] =	stream.linear.gather [hbm4b:s12+s3], $0x2000, $0x38;
	[tilespmem:$0x10000] =	vst v63  }
0x7d: {  	_ =	swait.ge [sflag:s31], $0x2000  }
0x7e: {  	[sflag:s31] =	ssyncset.done $0x0  }
0x7f: {  	p0 =	sne.s32 s9, $0xF000;
	[sflag:s31] =	ssyncadd.s32 $0xFFFFE000  }
0x80: {  	s9 =	sadd.s32 $0x1000, s9;
	s13 =	smin.u32 s10, $0x38;
	_ =	swait.ge [sflag:s0], $0x2000  }
0x81: {  	s11 =	sadd.s32 $0xC00, s11;
	s12 =	sshll.u32 s13, $0xD;
	[sflag:s0] =	ssyncset.done $0x0  }
.Ltmp0:
0x82: {  	s12 =	sadd.s32 $0xE000, s12;
	[sflag:s0] =	ssyncadd.s32 $0xFFFFE000;
	(pc) =	sbr.rel @p0 .LBB2_2-.Ltmp0, $4  }
0x83: {  	[hbm4b:s11+s3] =	stream.linear.scatter [tilespmem:s22], [sflag:$0x9], $0x2000, $0x38;
	[tilespmem:$0x10000] =	vst v63  }
0x84: {  	s10 =	sadd.s32 $0x4, s10;
	s13 =	sadd.s32 s4, s12;
	_ =	swait.ge [sflag:s25], $0x2000  }
0x85: {  	s12 =	sadd.s32 s6, s12;
	s13 =	sshrl.u32 s13, $0x3;
	[sflag:s25] =	ssyncset.done $0x0  }
0x86: {  	s11 =	sshrl.u32 s12, $0x3;
	s12 =	sadd.s32 s1, s13;
	[sflag:s25] =	ssyncadd.s32 $0xFFFFE000  }
0x87: {  	[tilespmem:s21], [sflag:$0x4] =	stream.linear.gather [hbm4b:s12+s3], $0x2000, $0x38;
	[tilespmem:$0x10000] =	vst v63  }
0x88: {  	s9 =	sadd.s32 s5, s11  }
0x89: {  	[tilespmem:s22], [sflag:$0x8] =	stream.linear.gather [hbm4b:s9+s3], $0x2000, $0x38;
	[tilespmem:$0x10000] =	vst v63  }
0x8a: {  	_ =	swait.ge [sflag:s23], $0x2000  }
0x8b: {  	[sflag:s23] =	ssyncset.done $0x0  }
0x8c: {  	[sflag:s23] =	ssyncadd.s32 $0xFFFFE000  }
0x8d: {  	_ =	swait.ge [sflag:s24], $0x2000  }
0x8e: {  	[sflag:s24] =	ssyncset.done $0x0  }
0x8f: {  	[sflag:s24] =	ssyncadd.s32 $0xFFFFE000  }
0x90: {  	_ =	swait.ge [sflag:s26], $0x2000  }
0x91: {  	[sflag:s26] =	ssyncset.done $0x0  }
0x92: {  	[sflag:s26] =	ssyncadd.s32 $0xFFFFE000  }
0x93: {  	_ =	swait.ge [sflag:s28], $0x2000  }
0x94: {  	[sflag:s28] =	ssyncset.done $0x0  }
0x95: {  	[sflag:s28] =	ssyncadd.s32 $0xFFFFE000  }
0x96: {  	_ =	swait.ge [sflag:s29], $0x2000  }
0x97: {  	[sflag:s29] =	ssyncset.done $0x0  }
0x98: {  	[sflag:s29] =	ssyncadd.s32 $0xFFFFE000  }
0x99: {  	_ =	swait.ge [sflag:s30], $0x2000  }
0x9a: {  	[sflag:s30] =	ssyncset.done $0x0  }
0x9b: {  	s2 =	sadd.s32 $0x1, s2;
	[sflag:s30] =	ssyncadd.s32 $0xFFFFE000  }
0x9c: {  	p0 =	sne.s32 s2, s15;
	_ =	swait.ge [sflag:s31], $0x2000  }
.Ltmp1:
0x9d: {  	[sflag:s31] =	ssyncset.done $0x0;
	(pc) =	sbr.rel @p0 .LBB2_1-.Ltmp1, $4  }
0x9e: {  	[sflag:s31] =	ssyncadd.s32 $0xFFFFE000  }
0x9f: {  	_ =	swait.ge [sflag:s0], $0x2000  }
0xa0: {  	[sflag:s0] =	ssyncset.done $0x0  }
0xa1: {  	[sflag:s0] =	ssyncadd.s32 $0xFFFFE000  }
0xa2: {  	_ =	sfence.sel $0x180000  }
0xa3: {  	[bflag:$0x0] =	sbarrier.arrive $0xFFFF  }
0xa4: {  	_ =	strace $0x9000004A  }
0xa5: {  	s0 =	stileid.u32;
	[bflag:$0x2] =	sbarrier.arrive $0xFFFF  }
0xa6: {  	p0 =	sne.s32 s0, $0x0;
	s0 =	rddreg [dreg:$0x2]  }
0xa7: {  	s0 =	sadd.s32 @!p0 $0x100000, s0  }
0xa8: {  	[sflag:s0] =	ssyncadd.tile.s32 @!p0 $0x1;
	_ =	shalt  }
.Lfunc_end2:
_tile_overlayer_lowered:
.L_overlay_start_2:
0xa9: {  	(tag) =	ssettag $0x2  }
0xaa: {  	s0 =	rddreg [dreg:$0x0];
	s2 =	stileid.u32  }
0xab: {  	s1 =	rddreg [dreg:$0x1];
	p0 =	sne.s32 s2, $0x0  }
0xac: {  	s3 =	rddreg [dreg:$0x2];
	[bflag:$0x3] =	sbarrier.arrive $0xFFFF;
	s2 =	simm.s32 @!p0 $0x1C09  }
0xad: {  	[timem:s3], [sflag:s2] =	dma.local @!p0 [hbm:s0], s1  }
0xae: {  	s0 =	simm.s32 @!p0 $0x9  }
0xaf: {  	_ =	swait.ge @!p0 [sflag:s0], s1  }
0xb0: {  	s1 =	ssub.s32 @!p0 $0x0, s1;
	[sflag:s0] =	ssyncset.done @!p0 $0x0  }
0xb1: {  	[sflag:s0] =	ssyncadd.s32 @!p0 s1  }
0xb2: {  	[bflag:$0x3] =	sbarrier.arrive $0xFFFF  }
0xb3: {  	_ =	shalt  }

// kernel: sparse-core-data-format-call.cloned.1.call-start
scs
called_computation_lowered:
.L_overlay_start_0:
0x0: {  	s2 =	sld [smem:$0x3FD9]  }
0x1: {  	s3 =	sld [smem:$0x3FFE];
	_ =	sdelay $0x1  }
0x2: {  	s1 =	srdreg.scid  }
0x3: {  	s0 =	sand.u32 $0x1, s1  }
0x4: {  	s19 =	sshll.u32 s0, $0xA;
	s2 =	sadd.s32 s3, s2  }
0x5: {  	s2 =	sadd.s32 s2, s19  }
0x6: {  	[smem:$0x3FC6] =	sst s2  }
0x7: {  	_ = 	snop  }
0x8: {  	s2 =	sld [smem:$0x3FC9]  }
0x9: {  	s20 =	sld [smem:$0x3FD0];
	(tm) =	ssettm $0x1  }
0xa: {  	s4 =	sld [smem:$0x3FFB];
	_ =	sdelay $0x3  }
0xb: {  	_ =	strace s4  }
0xc: {  	s4 =	sld [smem:$0x3FFC];
	_ =	sdelay $0x3  }
0xd: {  	_ =	strace s4  }
0xe: {  	s4 =	sld [smem:$0x3FFD];
	_ =	sdelay $0x3  }
0xf: {  	_ =	strace s4  }
0x10: {  	_ =	strace $0x8FFFFFFF  }
0x11: {  	s21 =	sld [smem:$0x3FDB];
	_ =	sdelay $0x1  }
0x12: {  	s5 =	simm.s32 $_scs_section_size  }
0x13: {  	s6 =	simm.s32 $_size__tile_overlayer_lowered;
	s7 =	simm.s32 $_tile_overlayer_lowered  }
0x14: {  	s24 =	simm.s32 $0x1BFF;
	s23 =	sshll.u32 s7, $0x1;
	s4 =	sadd.s32 s5, s21  }
0x15: {  	s8 =	simm.s32 $0x0;
	s22 =	sshll.u32 s6, $0x1;
	s6 =	sadd.s32 s23, s4  }
0x16: {  	[timem:s8], [sflag:s24] =	dma.local [hbm:s6], s22  }
0x17: {  	_ =	swait.ge [sflag:s24], s22  }
0x18: {  	s5 =	ssub.s32 $0x0, s22;
	[sflag:s24] =	ssyncset.done $0x0  }
0x19: {  	[sflag:s24] =	ssyncadd.s32 s5;
	_ =	sdelay $0x1  }
0x1a: {  	s25 =	simm.s32 $0x1B8B  }
0x1b: {  	_ =	swait.ge [sflag:s25], $0x1  }
0x1c: {  	[sflag:s25] =	ssyncset.done $0x0  }
0x1d: {  	s26 =	simm.s32 $0x1B8E;
	[sflag:s25] =	ssyncadd.s32 $0xFFFFFFFF  }
0x1e: {  	s27 =	simm.s32 $execute0_lowered;
	[smem:$0x3FD2] =	sst s26  }
0x1f: {  	s5 =	sshll.u32 s27, $0x1;
	_ =	strace $0x80000046;
	[dreg:$0x1] =	wrdreg $0xFFFFFFFF  }
0x20: {  	s28 =	simm.s32 $_size_execute0_lowered;
	s4 =	sadd.s32 s4, s5;
	[dreg:$0x0] =	wrdreg $0x0  }
0x21: {  	s5 =	sshll.u32 s28, $0x1;
	[dreg:$0x2] =	wrdreg s4  }
0x22: {  	[dreg:$0x3] =	wrdreg s5  }
0x23: {  	[dreg:$0x4] =	wrdreg $0xC0  }
0x24: {  	_ =	task [dreg:s8], $0x5FFFF  }
0x25: {  	[dreg:$0x1] =	wrdreg $0xFFFFFFFF  }
0x26: {  	[dreg:$0x0] =	wrdreg $0x60  }
0x27: {  	[dreg:$0x2] =	wrdreg s2  }
0x28: {  	[dreg:$0x3] =	wrdreg s20  }
0x29: {  	[dreg:$0x4] =	wrdreg $0x9  }
0x2a: {  	_ =	task.clear_ibuf [dreg:s8], $0x5FFFF;
	_ =	strace $0x90000046  }
0x2b: {  	s29 =	simm.s32 $0x9;
	_ =	strace $0x80000048  }
0x2c: {  	_ =	swait.ge [sflag:s29], $0x1  }
0x2d: {  	[sflag:s29] =	ssyncadd.s32 $0xFFFFFFFF  }
0x2e: {  	_ =	strace $0x90000048  }
0x2f: {  	_ =	sfence  }
0x30: {  	s30 =	sld [smem:$0x0];
	_ =	sdelay $0x2  }
0x31: {  	s31 =	sshll.u32 s1, $0xD;
	s1 =	sshrl.u32 s1, $0x2  }
0x32: {  	s3 =	sand.u32 $0x4000, s31;
	s1 =	sadd.s32 s1, s30  }
0x33: {  	s0 =	sor.u32 s3, s0;
	s1 =	sshll.u32 s1, $0x11  }
0x34: {  	s0 =	sor.u32 s1, s0  }
0x35: {  	s0 =	sadd.s32 $0x8F2B, s0  }
0x36: {  	[sflag:s0] =	ssyncadd.remote.s32 $0x1  }
0x37: {  	_ =	sfence.sel $0xFFFF  }
0x38: {  	[dreg:$0x0] =	wrdreg $0xFFFFFFFF;
	(pc) =	sbr.abs _section_cstart, $3  }
0x39: {  	[dreg:$0x1] =	wrdreg $0xFFFFFFFF  }
0x3a: {  	_ =	task.clear_ibuf [dreg:s8], $0x2FFFF;
	_ =	strace $0x9FFFFFFF  }
0x3b: {  	(tm) =	ssettm $0x7FFFFFFF  }
tec
execute0_lowered:
.L_overlay_start_1:
0x0: {  	(tag) =	ssettag $0x1  }
0x1: {  	s0 =	srdreg.scid  }
0x2: {  	s1 =	sshll.u32 s0, $0x4  }
0x3: {  	s2 =	rddreg [dreg:$0x0];
	s0 =	stileid.u32;
	s1 =	sand.u32 $0x10, s1  }
0x4: {  	s4 =	rddreg [dreg:$0x1];
	s1 =	sor.u32 s0, s1  }
0x5: {  	s7 =	simm.s32 $0x1;
	s8 =	simm.s32 $0x2;
	s3 =	sshll.u32 s1, $0x1  }
0x6: {  	s9 =	simm.s32 $0x0;
	s12 =	simm.s32 $0x0;
	s6 =	ssub.s32 $0x800, s3  }
.Ltmp0:
0x7: {  	s11 =	simm.s32 $0x0;
	s5 =	sand.u32 $0x3E, s6;
	(pc) =	sbr.rel .LBB1_1-.Ltmp0, $4  }
0x8: {  	s1 =	rddreg [dreg:$0x2];
	_ =	strace $0x80000047;
	p0 =	sne.s32 s5, $0x0  }
0x9: {  	s6 =	sshrl.u32 s6, $0x6;
	s5 =	simm.s32 $0x1;
	s7 =	simm.s32 @!p0 $0x0  }
0xa: {  	s10 =	smov.u32 s3;
	[sflag:s5] =	ssyncpa.u1 $0x0;
	s6 =	sadd.s32 s7, s6  }
0xb: {  	[sflag:s8] =	ssyncpa.u1 $0x0;
	s8 =	simm.s32 $0x0;
	s7 =	sadd.s32 $0x1, s6  }
.LBB1_9:
0xc: {  	s14 =	sadd.s32 $0x40, s10  }
0xd: {  	p1 =	sgt.s32 s14, $0x7FF  }
0xe: {  	s14 =	smov.u32 @p1 s3;
	p1 =	sne.s32 s11, s7  }
.Ltmp1:
0xf: {  	p0 =	slt.u32 s11, $0x2;
	(pc) =	sbr.rel @!p1 .LBB1_10-.Ltmp1, $4  }
0x10: {  	s13 =	simm.s32 @!p0 $0x2  }
0x11: {  	s15 =	sadd.s32 $0x1, s11;
	_ =	swait.ge @!p0 [sflag:s13], $0x4000  }
0x12: {  	s12 =	smov.u32 s10;
	s9 =	sadd.s32 $0x4000, s9;
	[sflag:s13] =	ssyncset.done @!p0 $0x0  }
0x13: {  	s11 =	smov.u32 s15;
	s10 =	smov.u32 s14;
	[sflag:s13] =	ssyncadd.s32 @!p0 $0xFFFFC000  }
.LBB1_1:
0x14: {  	p0 =	sge.u32 s11, s6  }
0x15: {  	s13 =	sxor.u32 @!p0 $0xFFFFFFFF, s11  }
0x16: {  	s31 =	sadd.s32 $0xFFFFFFFF, s11;
	s14 =	sshll.u32 @!p0 s10, $0xA;
	s13 =	sshll.u32 @!p0 s13, $0xE  }
0x17: {  	s15 =	simm.s32 @!p0 $0x0;
	s14 =	sadd.s32 @!p0 s2, s14;
	s13 =	sand.u32 @!p0 $0x4000, s13  }
0x18: {  	[tilespmem:s13], [sflag:$0x1] =	stream.linear.gather @!p0 [hbm4b:s14+s15], $0x4000, $0x38;
	[tilespmem:$0x10000] =	vst v63  }
0x19: {  	p0 =	sge.u32 s31, s6  }
.Ltmp2:
0x1a: {  	_ = 	snop;
	(pc) =	sbr.rel @p0 .LBB1_9-.Ltmp2, $1  }
0x1b: {  	_ =	sdelay $0x3  }
0x1c: {  	s13 =	sshll.u32 s9, $0x2  }
0x1d: {  	_ =	swait.ge [sflag:s5], $0x4000;
	s14 =	sshll.u32 s11, $0xE;
	s16 =	simm.s32 $0x0  }
0x1e: {  	p1 =	por $0x1, $0x1;
	s13 =	sand.u32 $0x10000, s13;
	[sflag:s5] =	ssyncset.done $0x0  }
0x1f: {  	s14 =	sand.u32 $0x4000, s14;
	s15 =	sshrl.u32 s13, $0x2;
	[sflag:s5] =	ssyncadd.s32 $0xFFFFC000  }
0x20: {  	s13 =	sor.u32 $0x8000, s14;
	s14 =	sadd.s32 $0x8040, s15;
	s15 =	sadd.s32 $0x40, s15  }
.LBB1_3:
0x21: {  	s16 =	sshll.u32 s16, $0x2  }
0x22: {  	p0 =	por p1, p1;
	s17 =	sshra.s32 s16, $0x2  }
0x23: {  	s18 =	simm.s32 $0x0;
	s16 =	sadd.s32 s17, s14;
	s17 =	sadd.s32 s17, s15  }
.LBB1_4:
0x24: {  	v0 =	vmov s17;
	_ =	sdelay $0x3  }
0x25: {  	s20 =	simm.s32 $0x0  }
0x26: {  	v6 =	vld.idx.msk [tilespmem:v0+s20+$0x30 ss:$0x1], $0xffff  }
0x27: {  	v7 =	vld.idx.msk [tilespmem:v0+s20+$0xFFFFFFC0 ss:$0x1], $0xffff  }
0x28: {  	v5 =	vld.idx.msk [tilespmem:v0+s20+$0xFFFFFFD0 ss:$0x1], $0xffff  }
0x29: {  	v4 =	vld.idx.msk [tilespmem:v0+s20+$0xFFFFFFE0 ss:$0x1], $0xffff  }
0x2a: {  	v3 =	vld.idx.msk [tilespmem:v0+s20+$0xFFFFFFF0 ss:$0x1], $0xffff  }
0x2b: {  	v1 =	vld.idx.msk [tilespmem:v0+s20+$0x0 ss:$0x1], $0xffff  }
0x2c: {  	v2 =	vld.idx.msk [tilespmem:v0+s20+$0x10 ss:$0x1], $0xffff;
	[tilespmem:s16+$0x30] =	vst v6  }
0x2d: {  	s19 =	simm.s32 $0x80;
	s21 =	simm.s32 $0x400;
	[tilespmem:s16+$0xFFFFFFC0] =	vst v7;
	v6 =	vld.idx.msk [tilespmem:v0+s20+$0x20 ss:$0x1], $0xffff;
	s20 =	smov.u32 s16  }
.LBB1_5:
0x2e: {  	p1 =	sne.s32 s21, $0xE00;
	v7 =	vld.idx.msk [tilespmem:v0+s19+$0x30 ss:$0x1], $0xffff;
	[tilespmem:s20+$0xFFFFFFD0] =	vst v5  }
0x2f: {  	v8 =	vld.idx.msk [tilespmem:v0+s19+$0xFFFFFFC0 ss:$0x1], $0xffff;
	[tilespmem:s20+$0xFFFFFFE0] =	vst v4  }
0x30: {  	v5 =	vld.idx.msk [tilespmem:v0+s19+$0xFFFFFFD0 ss:$0x1], $0xffff;
	[tilespmem:s20+$0xFFFFFFF0] =	vst v3  }
.Ltmp3:
0x31: {  	v4 =	vld.idx.msk [tilespmem:v0+s19+$0xFFFFFFE0 ss:$0x1], $0xffff;
	[tilespmem:s20+$0x0] =	vst v1;
	(pc) =	sbr.rel @p1 .LBB1_5-.Ltmp3, $4  }
0x32: {  	v3 =	vld.idx.msk [tilespmem:v0+s19+$0xFFFFFFF0 ss:$0x1], $0xffff;
	[tilespmem:s20+$0x10] =	vst v2  }
0x33: {  	v1 =	vld.idx.msk [tilespmem:v0+s19+$0x0 ss:$0x1], $0xffff;
	[tilespmem:s20+$0x20] =	vst v6;
	s20 =	sadd.s32 $0x400, s20  }
0x34: {  	v2 =	vld.idx.msk [tilespmem:v0+s19+$0x10 ss:$0x1], $0xffff;
	[tilespmem:s20+$0x30] =	vst v7  }
0x35: {  	[tilespmem:s20+$0xFFFFFFC0] =	vst v8;
	v6 =	vld.idx.msk [tilespmem:v0+s19+$0x20 ss:$0x1], $0xffff;
	s19 =	sshra.s32 s21, $0x2;
	s21 =	sadd.s32 $0x200, s21  }
0x36: {  	_ =	sdelay $0x2  }
0x37: {  	[tilespmem:s20+$0xFFFFFFD0] =	vst v5  }
0x38: {  	v56 =	vld.idx.msk [tilespmem:v0+s19+$0x30 ss:$0x1], $0xffff;
	[tilespmem:s20+$0xFFFFFFE0] =	vst v4  }
0x39: {  	v57 =	vld.idx.msk [tilespmem:v0+s19+$0xFFFFFFC0 ss:$0x1], $0xffff;
	[tilespmem:s20+$0xFFFFFFF0] =	vst v3  }
0x3a: {  	v58 =	vld.idx.msk [tilespmem:v0+s19+$0xFFFFFFD0 ss:$0x1], $0xffff;
	[tilespmem:s20+$0x0] =	vst v1  }
0x3b: {  	v59 =	vld.idx.msk [tilespmem:v0+s19+$0xFFFFFFE0 ss:$0x1], $0xffff;
	[tilespmem:s20+$0x10] =	vst v2  }
0x3c: {  	v60 =	vld.idx.msk [tilespmem:v0+s19+$0xFFFFFFF0 ss:$0x1], $0xffff;
	s31 =	sadd.s32 $0x400, s20;
	[tilespmem:s20+$0x20] =	vst v6  }
0x3d: {  	v61 =	vld.idx.msk [tilespmem:v0+s19+$0x0 ss:$0x1], $0xffff;
	[tilespmem:s31+$0x30] =	vst v56  }
0x3e: {  	v62 =	vld.idx.msk [tilespmem:v0+s19+$0x10 ss:$0x1], $0xffff;
	s18 =	sadd.s32 $0x1, s18;
	[tilespmem:s31+$0xFFFFFFC0] =	vst v57  }
0x3f: {  	v63 =	vld.idx.msk [tilespmem:v0+s19+$0x20 ss:$0x1], $0xffff;
	p1 =	sne.s32 s18, $0x8;
	[tilespmem:s31+$0xFFFFFFD0] =	vst v58  }
.Ltmp4:
0x40: {  	[tilespmem:s31+$0xFFFFFFE0] =	vst v59;
	(pc) =	sbr.rel @p1 .LBB1_4-.Ltmp4, $4  }
0x41: {  	[tilespmem:s31+$0xFFFFFFF0] =	vst v60  }
0x42: {  	[tilespmem:s31+$0x0] =	vst v61  }
0x43: {  	[tilespmem:s31+$0x10] =	vst v62  }
0x44: {  	s16 =	sadd.s32 $0x80, s16;
	s17 =	sadd.s32 $0x400, s17;
	[tilespmem:s31+$0x20] =	vst v63  }
.Ltmp5:
0x45: {  	(pc) =	sbr.rel @p0 .LBB1_3-.Ltmp5, $2  }
0x46: {  	_ =	sdelay $0x2  }
0x47: {  	s16 =	simm.s32 $0x2000;
	p1 =	por $0x0, $0x0  }
.Ltmp6:
0x48: {  	(pc) =	sbr.rel .LBB1_9-.Ltmp6, $4  }
0x49: {  	_ = 	snop  }
0x4a: {  	s12 =	sshll.u32 s12, $0xA  }
0x4b: {  	s12 =	sadd.s32 s4, s12  }
0x4c: {  	[hbm4b:s12+s8] =	stream.linear.scatter [tilespmem:s13], [sflag:$0x2], $0x4000, $0x38;
	[tilespmem:$0x10000] =	vst v63  }
.LBB1_10:
0x4d: {  	_ =	sfence.sel $0x180000  }
0x4e: {  	s2 =	simm.s32 $0x1;
	[bflag:$0x0] =	sbarrier.arrive $0xFFFF  }
0x4f: {  	s31 =	simm.s32 $0x2;
	[sflag:s2] =	ssyncpa.u1 $0x1  }
0x50: {  	[sflag:s31] =	ssyncpa.u1 $0x1  }
0x51: {  	p0 =	sne.s32 s0, $0x0;
	_ =	strace $0x90000047  }
0x52: {  	s0 =	sadd.s32 @!p0 $0x100000, s1;
	[bflag:$0x2] =	sbarrier.arrive $0xFFFF  }
0x53: {  	[sflag:s0] =	ssyncadd.tile.s32 @!p0 $0x1;
	_ =	shalt  }
.Lfunc_end1:
_tile_overlayer_lowered:
.L_overlay_start_2:
0x54: {  	(tag) =	ssettag $0x2  }
0x55: {  	s0 =	rddreg [dreg:$0x0];
	s2 =	stileid.u32  }
0x56: {  	s1 =	rddreg [dreg:$0x1];
	p0 =	sne.s32 s2, $0x0  }
0x57: {  	s3 =	rddreg [dreg:$0x2];
	[bflag:$0x3] =	sbarrier.arrive $0xFFFF;
	s2 =	simm.s32 @!p0 $0x1C01  }
0x58: {  	[timem:s3], [sflag:s2] =	dma.local @!p0 [hbm:s0], s1  }
0x59: {  	s0 =	simm.s32 @!p0 $0x1  }
0x5a: {  	_ =	swait.ge @!p0 [sflag:s0], s1  }
0x5b: {  	s1 =	ssub.s32 @!p0 $0x0, s1;
	[sflag:s0] =	ssyncset.done @!p0 $0x0  }
0x5c: {  	[sflag:s0] =	ssyncadd.s32 @!p0 s1  }
0x5d: {  	[bflag:$0x3] =	sbarrier.arrive $0xFFFF  }
0x5e: {  	_ =	shalt  }

</sc_bundles>
